<compile_context>
chip_gen: v7x
topology: tpu7x:2x2x1
jax: 0.10.2.dev20260603
libtpu: 0.0.44.dev20260713+nightly
codegen_flags: <defaults>
</compile_context>

<pallas_src>
import functools

import numpy as np
import jax
import jax.numpy as jnp
from jax import lax
from jax.experimental import pallas as pl
from jax.experimental.pallas import tpu as pltpu
from jax.experimental.pallas import tpu_sc as plsc

_NC = 2
_NS = 16
_L = 16
_NW = _NC * _NS

_SHAPE = (2, 8192, 4096)
_N = _SHAPE[0] * _SHAPE[1] * _SHAPE[2]
_PER_W = _N // _NW
_B = 16384
_NBLK = _PER_W // _B

_TBL = 4097
_TBL_PAD = 4112

_MAGIC = np.float32(12582912.0)


def _build_table() -> np.ndarray:
    xs = np.linspace(-8.0, 8.0, num=_TBL).astype(np.float32)
    ys = 1.0 / (1.0 + np.exp(-xs.astype(np.float64)))
    yq = np.rint(ys * 256.0)
    tbl = (yq / 256.0).astype(np.float32)
    out = np.zeros((_TBL_PAD,), dtype=np.float32)
    out[:_TBL] = tbl
    return out


_TABLE = _build_table()


@functools.cache
def _get_lut_kernel():
    mesh = plsc.VectorSubcoreMesh(
        core_axis_name="c", subcore_axis_name="s",
        num_cores=_NC, num_subcores=_NS,
    )

    @functools.partial(
        pl.kernel,
        out_type=jax.ShapeDtypeStruct((_N,), jnp.float32),
        mesh=mesh,
        compiler_params=pltpu.CompilerParams(needs_layout_passes=False),
        scratch_types=[
            pltpu.VMEM((_TBL_PAD,), jnp.float32),
            pltpu.VMEM((_B,), jnp.float32),
            pltpu.VMEM((_B,), jnp.float32),
            pltpu.VMEM((_B,), jnp.float32),
            pltpu.VMEM((_B,), jnp.float32),
            pltpu.SemaphoreType.DMA,
            pltpu.SemaphoreType.DMA,
            pltpu.SemaphoreType.DMA,
            pltpu.SemaphoreType.DMA,
        ],
    )
    def _lut_kernel(x_hbm, tbl_hbm, out_hbm, tbl_v,
                    in0, in1, out0, out1, si0, si1, so0, so1):
        wid = lax.axis_index("s") * _NC + lax.axis_index("c")
        base = wid * _PER_W
        ins, outs = (in0, in1), (out0, out1)
        sis, sos = (si0, si1), (so0, so1)

        def in_copy(g, b):
            off = base + g * _B
            return pltpu.make_async_copy(
                x_hbm.at[pl.ds(off, _B)], ins[b], sis[b])

        def out_copy(g, b):
            off = base + g * _B
            return pltpu.make_async_copy(
                outs[b], out_hbm.at[pl.ds(off, _B)], sos[b])

        def compute(in_v, out_v):
            @plsc.parallel_loop(0, _B // _L, 1, unroll=8)
            def vec(i):
                xv = in_v[pl.ds(i * _L, _L)]
                u = xv * np.float32(256.0) + _MAGIC
                v = u - (_MAGIC - np.float32(2048.0))
                v = jnp.minimum(jnp.maximum(v, np.float32(0.0)),
                                np.float32(4096.0))
                idx = v.astype(jnp.int32)
                out_v[pl.ds(i * _L, _L)] = plsc.load_gather(tbl_v, [idx])

        in_copy(0, 0).start()
        pltpu.sync_copy(tbl_hbm, tbl_v)

        def pair(g2, carry):
            for b in range(2):
                g = g2 * 2 + b

                @pl.when(g + 1 < _NBLK)
                def _():
                    in_copy(g + 1, 1 - b).start()

                in_copy(g, b).wait()

                @pl.when(g >= 2)
                def _():
                    out_copy(g - 2, b).wait()

                compute(ins[b], outs[b])
                out_copy(g, b).start()
            return carry

        lax.fori_loop(0, _NBLK // 2, pair, 0)
        out_copy(_NBLK - 2, 0).wait()
        out_copy(_NBLK - 1, 1).wait()

    return _lut_kernel


def kernel(x):
    y = _get_lut_kernel()(x.reshape(-1), _TABLE)
    return y.reshape(_SHAPE)

# --- scband reference (transcript-rebuilt; emitter-appended) ---
"""Pipeline reference for scband-int16-sigmoid-lut-30983894073632 (READ-ONLY COPY).

The authoritative reference and input builder live on the scoring server;
editing this copy changes nothing except your own understanding.
"""

import jax, jax.numpy as jnp
import numpy as np

X_MIN = -8.0
X_MAX = 8.0


def to_q88_int16(x):
    t = jnp.round(x * 256.0)
    t = jnp.clip(t, -32768.0, 32767.0)
    return t.astype(jnp.int16)


def from_q88_int16(xq):
    return xq.astype(jnp.float32) / 256.0


def build_table():
    n = int(round((X_MAX - X_MIN) * 256))
    xs = jnp.linspace(X_MIN, X_MAX, num=n + 1, dtype=jnp.float32)
    ys = jax.nn.sigmoid(xs)
    return to_q88_int16(ys)


def setup_inputs(seed: int = 0) -> dict:
    key = jax.random.key(seed)
    x = jax.random.normal(key, (2, 8192, 4096), dtype=jnp.float32) * 3.0
    return {"x": x}


def reference(x) -> jnp.ndarray:
    table = build_table()
    # to_q88_int16(x)
    x_q = to_q88_int16(x)
    # _Q88LUT.lookup
    x_f = from_q88_int16(x_q)
    x_c = jnp.clip(x_f, X_MIN, X_MAX)
    idx = jnp.round((x_c - X_MIN) * 256.0).astype(jnp.int64)
    y_q = jnp.take(table, idx, axis=0)
    return from_q88_int16(y_q)

if __name__ == "__main__":
    import jax
    _d = setup_inputs()
    print(jax.jit(kernel)(*tuple(_d.values())))

</pallas_src>

<mosaic_0001>
#map = affine_map<(d0, d1) -> (0)>
module attributes {stable_mosaic.version = 14 : i64} {
  func.func @_lut_kernel(%arg0: i32, %arg1: i32, %arg2: memref<67108864xf32, #tpu.memory_space<hbm>>, %arg3: memref<4112xf32, #tpu.memory_space<hbm>>, %arg4: memref<67108864xf32, #tpu.memory_space<hbm>>, %arg5: memref<4112xf32, #tpu.memory_space<vmem>>, %arg6: memref<16384xf32, #tpu.memory_space<vmem>>, %arg7: memref<16384xf32, #tpu.memory_space<vmem>>, %arg8: memref<16384xf32, #tpu.memory_space<vmem>>, %arg9: memref<16384xf32, #tpu.memory_space<vmem>>, %arg10: memref<!tpu.dma_semaphore, #tpu.memory_space<semaphore_mem>>, %arg11: memref<!tpu.dma_semaphore, #tpu.memory_space<semaphore_mem>>, %arg12: memref<!tpu.dma_semaphore, #tpu.memory_space<semaphore_mem>>, %arg13: memref<!tpu.dma_semaphore, #tpu.memory_space<semaphore_mem>>) attributes {dimension_semantics = [#tpu.dimension_semantics<core_parallel>, #tpu.dimension_semantics<subcore_parallel>], iteration_bounds = array<i64: 2, 16>, scalar_prefetch = 0 : i64, scratch_operands = 9 : i64, tpu.core_type = #tpu.core_type<sc_vector_subcore>, window_params = [{transform_indices = #map}, {transform_indices = #map}, {transform_indices = #map}]} {
    %mul3A = arith.constant 2 : i32
    %mul3A_0 = arith.muli %arg1, %mul3A : i32
    %add3A = arith.addi %mul3A_0, %arg0 : i32
    %mul3A_1 = arith.constant 2097152 : i32
    %mul3A_2 = arith.muli %add3A, %mul3A_1 : i32
    %add3A_3 = arith.constant 0 : i32
    %add3A_4 = arith.addi %mul3A_2, %add3A_3 : i32
    %dma_start3A = tpu.memref_slice %arg2[%add3A_4] : memref<67108864xf32, #tpu.memory_space<hbm>> -> memref<16384xf32, #tpu.memory_space<hbm>>
    %dma_start3A_5 = tpu.memref_slice %arg2[%add3A_4] : memref<67108864xf32, #tpu.memory_space<hbm>> -> memref<16384xf32, #tpu.memory_space<hbm>>
    tpu.enqueue_dma source(%dma_start3A_5 : memref<16384xf32, #tpu.memory_space<hbm>>) target(%arg6 : memref<16384xf32, #tpu.memory_space<vmem>>) target_semaphore(%arg10 : memref<!tpu.dma_semaphore, #tpu.memory_space<semaphore_mem>>)
    "tpu.region"() ({
      %run_scoped3A = tpu.sem_alloc : memref<!tpu.dma_semaphore, #tpu.memory_space<semaphore_mem>>
      tpu.enqueue_dma source(%arg3 : memref<4112xf32, #tpu.memory_space<hbm>>) target(%arg5 : memref<4112xf32, #tpu.memory_space<vmem>>) target_semaphore(%run_scoped3A : memref<!tpu.dma_semaphore, #tpu.memory_space<semaphore_mem>>)
      tpu.wait_dma2 semaphore(%run_scoped3A : memref<!tpu.dma_semaphore, #tpu.memory_space<semaphore_mem>>) src(%arg3 : memref<4112xf32, #tpu.memory_space<hbm>>) dst(%arg5 : memref<4112xf32, #tpu.memory_space<vmem>>)
      tpu.yield
    }) : () -> ()
    %scan3A = arith.constant 0 : i32
    %scan3A_6 = arith.constant 0 : i32
    %scan3A_7 = arith.constant 64 : i32
    %scan3A_8 = arith.addi %scan3A_6, %scan3A_7 : i32
    %scan3A_9 = arith.constant 1 : i32
    scf.for %scan3A_18 = %scan3A_6 to %scan3A_8 step %scan3A_9  : i32 {
      %mul3A_19 = arith.constant 2 : i32
      %mul3A_20 = arith.muli %scan3A_18, %mul3A_19 : i32
      %add3A_21 = arith.constant 0 : i32
      %add3A_22 = arith.addi %mul3A_20, %add3A_21 : i32
      %add3A_23 = arith.constant 1 : i32
      %add3A_24 = arith.addi %add3A_22, %add3A_23 : i32
      %lt3A = arith.constant 128 : i32
      %lt3A_25 = arith.cmpi slt, %add3A_24, %lt3A : i32
      %convert_element_type3A = arith.extui %lt3A_25 : i1 to i32
      %cond3A = arith.constant 0 : i32
      %cond3A_26 = arith.cmpi ne, %convert_element_type3A, %cond3A : i32
      scf.if %cond3A_26 {
        %add3A_72 = arith.constant 1 : i32
        %add3A_73 = arith.addi %add3A_22, %add3A_72 : i32
        %mul3A_74 = arith.constant 16384 : i32
        %mul3A_75 = arith.muli %add3A_73, %mul3A_74 : i32
        %add3A_76 = arith.addi %mul3A_2, %mul3A_75 : i32
        %dma_start3A_77 = tpu.memref_slice %arg2[%add3A_76] : memref<67108864xf32, #tpu.memory_space<hbm>> -> memref<16384xf32, #tpu.memory_space<hbm>>
        %dma_start3A_78 = tpu.memref_slice %arg2[%add3A_76] : memref<67108864xf32, #tpu.memory_space<hbm>> -> memref<16384xf32, #tpu.memory_space<hbm>>
        tpu.enqueue_dma source(%dma_start3A_78 : memref<16384xf32, #tpu.memory_space<hbm>>) target(%arg7 : memref<16384xf32, #tpu.memory_space<vmem>>) target_semaphore(%arg11 : memref<!tpu.dma_semaphore, #tpu.memory_space<semaphore_mem>>)
      } else {
      }
      %mul3A_27 = arith.constant 16384 : i32
      %mul3A_28 = arith.muli %add3A_22, %mul3A_27 : i32
      %add3A_29 = arith.addi %mul3A_2, %mul3A_28 : i32
      %dma_wait3A_30 = tpu.memref_slice %arg2[%add3A_29] : memref<67108864xf32, #tpu.memory_space<hbm>> -> memref<16384xf32, #tpu.memory_space<hbm>>
      %dma_wait3A_31 = tpu.memref_slice %arg2[%add3A_29] : memref<67108864xf32, #tpu.memory_space<hbm>> -> memref<16384xf32, #tpu.memory_space<hbm>>
      tpu.wait_dma2 semaphore(%arg10 : memref<!tpu.dma_semaphore, #tpu.memory_space<semaphore_mem>>) src(%dma_wait3A_31 : memref<16384xf32, #tpu.memory_space<hbm>>) dst(%arg6 : memref<16384xf32, #tpu.memory_space<vmem>>)
      %ge3A = arith.constant 2 : i32
      %ge3A_32 = arith.cmpi sge, %add3A_22, %ge3A : i32
      %convert_element_type3A_33 = arith.extui %ge3A_32 : i1 to i32
      %cond3A_34 = arith.constant 0 : i32
      %cond3A_35 = arith.cmpi ne, %convert_element_type3A_33, %cond3A_34 : i32
      scf.if %cond3A_35 {
        %sub3A = arith.constant 2 : i32
        %sub3A_72 = arith.subi %add3A_22, %sub3A : i32
        %mul3A_73 = arith.constant 16384 : i32
        %mul3A_74 = arith.muli %sub3A_72, %mul3A_73 : i32
        %add3A_75 = arith.addi %mul3A_2, %mul3A_74 : i32
        %dma_wait3A_76 = tpu.memref_slice %arg4[%add3A_75] : memref<67108864xf32, #tpu.memory_space<hbm>> -> memref<16384xf32, #tpu.memory_space<hbm>>
        %dma_wait3A_77 = tpu.memref_slice %arg4[%add3A_75] : memref<67108864xf32, #tpu.memory_space<hbm>> -> memref<16384xf32, #tpu.memory_space<hbm>>
        tpu.wait_dma2 semaphore(%arg12 : memref<!tpu.dma_semaphore, #tpu.memory_space<semaphore_mem>>) src(%arg8 : memref<16384xf32, #tpu.memory_space<vmem>>) dst(%dma_wait3A_77 : memref<16384xf32, #tpu.memory_space<hbm>>)
      } else {
      }
      %parallel_loop3A = arith.constant 0 : i32
      %parallel_loop3A_36 = arith.constant 1024 : i32
      %parallel_loop3A_37 = arith.constant 1 : i32
      scf.for %parallel_loop3A_72 = %parallel_loop3A to %parallel_loop3A_36 step %parallel_loop3A_37  : i32 {
        %parallel_loop3A_73 = arith.constant 16 : i32
        %parallel_loop3A_74 = arith.muli %parallel_loop3A_72, %parallel_loop3A_73 : i32
        %parallel_loop3A_75 = arith.index_cast %parallel_loop3A_74 : i32 to index
        %parallel_loop3A_76 = tpu.vector_load %arg6[%parallel_loop3A_75] {strides = array<i32>} : memref<16384xf32, #tpu.memory_space<vmem>>, vector<16xf32>,
        %parallel_loop3A_77 = arith.constant 2.560000e+02 : f32
        %parallel_loop3A_78 = vector.broadcast %parallel_loop3A_77 : f32 to vector<16xf32>
        %parallel_loop3A_79 = arith.mulf %parallel_loop3A_76, %parallel_loop3A_78 : vector<16xf32>
        %parallel_loop3A_80 = arith.constant 0x4B400000 : f32
        %parallel_loop3A_81 = vector.broadcast %parallel_loop3A_80 : f32 to vector<16xf32>
        %parallel_loop3A_82 = arith.addf %parallel_loop3A_79, %parallel_loop3A_81 : vector<16xf32>
        %parallel_loop3A_83 = arith.constant 0x4B3FF800 : f32
        %parallel_loop3A_84 = vector.broadcast %parallel_loop3A_83 : f32 to vector<16xf32>
        %parallel_loop3A_85 = arith.subf %parallel_loop3A_82, %parallel_loop3A_84 : vector<16xf32>
        %parallel_loop3A_86 = arith.constant 0.000000e+00 : f32
        %parallel_loop3A_87 = vector.broadcast %parallel_loop3A_86 : f32 to vector<16xf32>
        %parallel_loop3A_88 = arith.maximumf %parallel_loop3A_85, %parallel_loop3A_87 : vector<16xf32>
        %parallel_loop3A_89 = arith.constant 4.096000e+03 : f32
        %parallel_loop3A_90 = vector.broadcast %parallel_loop3A_89 : f32 to vector<16xf32>
        %parallel_loop3A_91 = arith.minimumf %parallel_loop3A_88, %parallel_loop3A_90 : vector<16xf32>
        %parallel_loop3A_92 = arith.fptosi %parallel_loop3A_91 : vector<16xf32> to vector<16xi32>
        %parallel_loop3A_93 = tpu.vector_load_idx %arg5[%parallel_loop3A_92] : memref<4112xf32, #tpu.memory_space<vmem>>[vector<16xi32>], vector<16xf32>,
        %parallel_loop3A_94 = arith.constant 16 : i32
        %parallel_loop3A_95 = arith.muli %parallel_loop3A_72, %parallel_loop3A_94 : i32
        %parallel_loop3A_96 = arith.index_cast %parallel_loop3A_95 : i32 to index
        %parallel_loop3A_97 = tpu.vector_load %arg8[%parallel_loop3A_96] {strides = array<i32>} : memref<16384xf32, #tpu.memory_space<vmem>>, vector<16xf32>,
        tpu.vector_store %arg8[%parallel_loop3A_96], %parallel_loop3A_93 {strides = array<i32>} : memref<16384xf32, #tpu.memory_space<vmem>>, vector<16xf32>,
      } {sc.loop_unroll_factor = 8 : i64, sc.parallel_access}
      %mul3A_38 = arith.constant 16384 : i32
      %mul3A_39 = arith.muli %add3A_22, %mul3A_38 : i32
      %add3A_40 = arith.addi %mul3A_2, %mul3A_39 : i32
      %dma_start3A_41 = tpu.memref_slice %arg4[%add3A_40] : memref<67108864xf32, #tpu.memory_space<hbm>> -> memref<16384xf32, #tpu.memory_space<hbm>>
      %dma_start3A_42 = tpu.memref_slice %arg4[%add3A_40] : memref<67108864xf32, #tpu.memory_space<hbm>> -> memref<16384xf32, #tpu.memory_space<hbm>>
      tpu.enqueue_dma source(%arg8 : memref<16384xf32, #tpu.memory_space<vmem>>) target(%dma_start3A_42 : memref<16384xf32, #tpu.memory_space<hbm>>) target_semaphore(%arg12 : memref<!tpu.dma_semaphore, #tpu.memory_space<semaphore_mem>>)
      %mul3A_43 = arith.constant 2 : i32
      %mul3A_44 = arith.muli %scan3A_18, %mul3A_43 : i32
      %add3A_45 = arith.constant 1 : i32
      %add3A_46 = arith.addi %mul3A_44, %add3A_45 : i32
      %add3A_47 = arith.constant 1 : i32
      %add3A_48 = arith.addi %add3A_46, %add3A_47 : i32
      %lt3A_49 = arith.constant 128 : i32
      %lt3A_50 = arith.cmpi slt, %add3A_48, %lt3A_49 : i32
      %convert_element_type3A_51 = arith.extui %lt3A_50 : i1 to i32
      %cond3A_52 = arith.constant 0 : i32
      %cond3A_53 = arith.cmpi ne, %convert_element_type3A_51, %cond3A_52 : i32
      scf.if %cond3A_53 {
        %add3A_72 = arith.constant 1 : i32
        %add3A_73 = arith.addi %add3A_46, %add3A_72 : i32
        %mul3A_74 = arith.constant 16384 : i32
        %mul3A_75 = arith.muli %add3A_73, %mul3A_74 : i32
        %add3A_76 = arith.addi %mul3A_2, %mul3A_75 : i32
        %dma_start3A_77 = tpu.memref_slice %arg2[%add3A_76] : memref<67108864xf32, #tpu.memory_space<hbm>> -> memref<16384xf32, #tpu.memory_space<hbm>>
        %dma_start3A_78 = tpu.memref_slice %arg2[%add3A_76] : memref<67108864xf32, #tpu.memory_space<hbm>> -> memref<16384xf32, #tpu.memory_space<hbm>>
        tpu.enqueue_dma source(%dma_start3A_78 : memref<16384xf32, #tpu.memory_space<hbm>>) target(%arg6 : memref<16384xf32, #tpu.memory_space<vmem>>) target_semaphore(%arg10 : memref<!tpu.dma_semaphore, #tpu.memory_space<semaphore_mem>>)
      } else {
      }
      %mul3A_54 = arith.constant 16384 : i32
      %mul3A_55 = arith.muli %add3A_46, %mul3A_54 : i32
      %add3A_56 = arith.addi %mul3A_2, %mul3A_55 : i32
      %dma_wait3A_57 = tpu.memref_slice %arg2[%add3A_56] : memref<67108864xf32, #tpu.memory_space<hbm>> -> memref<16384xf32, #tpu.memory_space<hbm>>
      %dma_wait3A_58 = tpu.memref_slice %arg2[%add3A_56] : memref<67108864xf32, #tpu.memory_space<hbm>> -> memref<16384xf32, #tpu.memory_space<hbm>>
      tpu.wait_dma2 semaphore(%arg11 : memref<!tpu.dma_semaphore, #tpu.memory_space<semaphore_mem>>) src(%dma_wait3A_58 : memref<16384xf32, #tpu.memory_space<hbm>>) dst(%arg7 : memref<16384xf32, #tpu.memory_space<vmem>>)
      %ge3A_59 = arith.constant 2 : i32
      %ge3A_60 = arith.cmpi sge, %add3A_46, %ge3A_59 : i32
      %convert_element_type3A_61 = arith.extui %ge3A_60 : i1 to i32
      %cond3A_62 = arith.constant 0 : i32
      %cond3A_63 = arith.cmpi ne, %convert_element_type3A_61, %cond3A_62 : i32
      scf.if %cond3A_63 {
        %sub3A = arith.constant 2 : i32
        %sub3A_72 = arith.subi %add3A_46, %sub3A : i32
        %mul3A_73 = arith.constant 16384 : i32
        %mul3A_74 = arith.muli %sub3A_72, %mul3A_73 : i32
        %add3A_75 = arith.addi %mul3A_2, %mul3A_74 : i32
        %dma_wait3A_76 = tpu.memref_slice %arg4[%add3A_75] : memref<67108864xf32, #tpu.memory_space<hbm>> -> memref<16384xf32, #tpu.memory_space<hbm>>
        %dma_wait3A_77 = tpu.memref_slice %arg4[%add3A_75] : memref<67108864xf32, #tpu.memory_space<hbm>> -> memref<16384xf32, #tpu.memory_space<hbm>>
        tpu.wait_dma2 semaphore(%arg13 : memref<!tpu.dma_semaphore, #tpu.memory_space<semaphore_mem>>) src(%arg9 : memref<16384xf32, #tpu.memory_space<vmem>>) dst(%dma_wait3A_77 : memref<16384xf32, #tpu.memory_space<hbm>>)
      } else {
      }
      %parallel_loop3A_64 = arith.constant 0 : i32
      %parallel_loop3A_65 = arith.constant 1024 : i32
      %parallel_loop3A_66 = arith.constant 1 : i32
      scf.for %parallel_loop3A_72 = %parallel_loop3A_64 to %parallel_loop3A_65 step %parallel_loop3A_66  : i32 {
        %parallel_loop3A_73 = arith.constant 16 : i32
        %parallel_loop3A_74 = arith.muli %parallel_loop3A_72, %parallel_loop3A_73 : i32
        %parallel_loop3A_75 = arith.index_cast %parallel_loop3A_74 : i32 to index
        %parallel_loop3A_76 = tpu.vector_load %arg7[%parallel_loop3A_75] {strides = array<i32>} : memref<16384xf32, #tpu.memory_space<vmem>>, vector<16xf32>,
        %parallel_loop3A_77 = arith.constant 2.560000e+02 : f32
        %parallel_loop3A_78 = vector.broadcast %parallel_loop3A_77 : f32 to vector<16xf32>
        %parallel_loop3A_79 = arith.mulf %parallel_loop3A_76, %parallel_loop3A_78 : vector<16xf32>
        %parallel_loop3A_80 = arith.constant 0x4B400000 : f32
        %parallel_loop3A_81 = vector.broadcast %parallel_loop3A_80 : f32 to vector<16xf32>
        %parallel_loop3A_82 = arith.addf %parallel_loop3A_79, %parallel_loop3A_81 : vector<16xf32>
        %parallel_loop3A_83 = arith.constant 0x4B3FF800 : f32
        %parallel_loop3A_84 = vector.broadcast %parallel_loop3A_83 : f32 to vector<16xf32>
        %parallel_loop3A_85 = arith.subf %parallel_loop3A_82, %parallel_loop3A_84 : vector<16xf32>
        %parallel_loop3A_86 = arith.constant 0.000000e+00 : f32
        %parallel_loop3A_87 = vector.broadcast %parallel_loop3A_86 : f32 to vector<16xf32>
        %parallel_loop3A_88 = arith.maximumf %parallel_loop3A_85, %parallel_loop3A_87 : vector<16xf32>
        %parallel_loop3A_89 = arith.constant 4.096000e+03 : f32
        %parallel_loop3A_90 = vector.broadcast %parallel_loop3A_89 : f32 to vector<16xf32>
        %parallel_loop3A_91 = arith.minimumf %parallel_loop3A_88, %parallel_loop3A_90 : vector<16xf32>
        %parallel_loop3A_92 = arith.fptosi %parallel_loop3A_91 : vector<16xf32> to vector<16xi32>
        %parallel_loop3A_93 = tpu.vector_load_idx %arg5[%parallel_loop3A_92] : memref<4112xf32, #tpu.memory_space<vmem>>[vector<16xi32>], vector<16xf32>,
        %parallel_loop3A_94 = arith.constant 16 : i32
        %parallel_loop3A_95 = arith.muli %parallel_loop3A_72, %parallel_loop3A_94 : i32
        %parallel_loop3A_96 = arith.index_cast %parallel_loop3A_95 : i32 to index
        %parallel_loop3A_97 = tpu.vector_load %arg9[%parallel_loop3A_96] {strides = array<i32>} : memref<16384xf32, #tpu.memory_space<vmem>>, vector<16xf32>,
        tpu.vector_store %arg9[%parallel_loop3A_96], %parallel_loop3A_93 {strides = array<i32>} : memref<16384xf32, #tpu.memory_space<vmem>>, vector<16xf32>,
      } {sc.loop_unroll_factor = 8 : i64, sc.parallel_access}
      %mul3A_67 = arith.constant 16384 : i32
      %mul3A_68 = arith.muli %add3A_46, %mul3A_67 : i32
      %add3A_69 = arith.addi %mul3A_2, %mul3A_68 : i32
      %dma_start3A_70 = tpu.memref_slice %arg4[%add3A_69] : memref<67108864xf32, #tpu.memory_space<hbm>> -> memref<16384xf32, #tpu.memory_space<hbm>>
      %dma_start3A_71 = tpu.memref_slice %arg4[%add3A_69] : memref<67108864xf32, #tpu.memory_space<hbm>> -> memref<16384xf32, #tpu.memory_space<hbm>>
      tpu.enqueue_dma source(%arg9 : memref<16384xf32, #tpu.memory_space<vmem>>) target(%dma_start3A_71 : memref<16384xf32, #tpu.memory_space<hbm>>) target_semaphore(%arg13 : memref<!tpu.dma_semaphore, #tpu.memory_space<semaphore_mem>>)
    }
    %scan3A_10 = arith.constant 64 : i32
    %add3A_11 = arith.constant 2064384 : i32
    %add3A_12 = arith.addi %mul3A_2, %add3A_11 : i32
    %dma_wait3A = tpu.memref_slice %arg4[%add3A_12] : memref<67108864xf32, #tpu.memory_space<hbm>> -> memref<16384xf32, #tpu.memory_space<hbm>>
    %dma_wait3A_13 = tpu.memref_slice %arg4[%add3A_12] : memref<67108864xf32, #tpu.memory_space<hbm>> -> memref<16384xf32, #tpu.memory_space<hbm>>
    tpu.wait_dma2 semaphore(%arg12 : memref<!tpu.dma_semaphore, #tpu.memory_space<semaphore_mem>>) src(%arg8 : memref<16384xf32, #tpu.memory_space<vmem>>) dst(%dma_wait3A_13 : memref<16384xf32, #tpu.memory_space<hbm>>)
    %add3A_14 = arith.constant 2080768 : i32
    %add3A_15 = arith.addi %mul3A_2, %add3A_14 : i32
    %dma_wait3A_16 = tpu.memref_slice %arg4[%add3A_15] : memref<67108864xf32, #tpu.memory_space<hbm>> -> memref<16384xf32, #tpu.memory_space<hbm>>
    %dma_wait3A_17 = tpu.memref_slice %arg4[%add3A_15] : memref<67108864xf32, #tpu.memory_space<hbm>> -> memref<16384xf32, #tpu.memory_space<hbm>>
    tpu.wait_dma2 semaphore(%arg13 : memref<!tpu.dma_semaphore, #tpu.memory_space<semaphore_mem>>) src(%arg9 : memref<16384xf32, #tpu.memory_space<vmem>>) dst(%dma_wait3A_17 : memref<16384xf32, #tpu.memory_space<hbm>>)
    return
  }
}

</mosaic_0001>

<sc_bundles>
// kernel: kernel.3.cloned.1.call-start
scs
__scs_entry_jumppad:
0x0: {  	(pc) =	sbr.rel $0x88, $3  }
0x1: {  	(tag) =	ssettag $0x0;
	lr =	simm.s32 $0x1  }
0x2: {  	[smem:$0x3FA0] =	sst lr;
	_ =	strace $0xD0000000  }
0x3: {  	_ = 	snop  }
0x4: {  	_ = 	snop  }
0x5: {  	_ = 	snop  }
0x6: {  	_ = 	snop  }
0x7: {  	_ = 	snop  }
__scs_overlays_trampoline_lowered:
0x8: {  	[smem:$0x3FAF] =	sst s0  }
0x9: {  	[smem:$0x3FB0] =	sst s1  }
0xa: {  	[smem:$0x3FB1] =	sst s2  }
0xb: {  	[smem:$0x3FB2] =	sst s3  }
0xc: {  	[smem:$0x3FB3] =	sst s4  }
0xd: {  	[smem:$0x3FB4] =	sst s5  }
0xe: {  	[smem:$0x3FB5] =	sst s6  }
0xf: {  	[smem:$0x3FB6] =	sst s7  }
0x10: {  	[smem:$0x3FB7] =	sst s8  }
0x11: {  	[smem:$0x3FB8] =	sst s9;
	s0 =	simm.s32 @!p0 $0x0  }
0x12: {  	s1 =	sld [smem:$0x3F9E];
	s0 =	simm.s32 @p0 $0x1  }
0x13: {  	[smem:$0x3FB9] =	sst s0;
	s0 =	simm.s32 @!p1 $0x0  }
0x14: {  	s2 =	sld [smem:$0x3F9D];
	s0 =	simm.s32 @p1 $0x1  }
0x15: {  	[smem:$0x3FBA] =	sst s0;
	s0 =	simm.s32 @!p2 $0x0  }
0x16: {  	s3 =	sld [smem:$0x3FDB];
	s0 =	simm.s32 @p2 $0x1  }
0x17: {  	s4 =	simm.s32 $0x1BF5;
	[smem:$0x3FBC] =	sst s0  }
0x18: {  	s0 =	sld [smem:$0x3F9F];
	_ =	swait.ge [sflag:s4], $0x0  }
0x19: {  	s7 =	sld [smem:$0x3FA0]  }
0x1a: {  	s8 =	sadd.s32 $0xFFFFE003, lr  }
0x1b: {  	s9 =	sadd.s32 $0xFFFFFEF7, lr;
	s5 =	simm.s32 $0xFFFFFFFF;
	p2 =	slt.u32 s8, $0xFFFFF086  }
0x1c: {  	p1 =	slt.u32 s9, $0xF7A;
	s5 =	simm.s32 @!p2 $0x0  }
0x1d: {  	s5 =	simm.s32 @p1 $0x1;
	p0 =	seq.s32 s7, s2  }
0x1e: {  	s7 =	smul.u32 @!p0 $0xF7A, s2;
	p2 =	seq.s32 @!p0 s5, $0x0  }
0x1f: {  	s9 =	smul.u32 $0xF7A, s1;
	s8 =	simm.s32 @!p0 $0x1BF5;
	p2 =	por !p2, p0  }
0x20: {  	[sflag:s8] =	ssyncset.s32 @!p0 $0xFFFFF086;
	s6 =	sadd.s32 @!p0 s3, s7;
	s7 =	simm.s32 @!p0 $0x108  }
0x21: {  	s3 =	sadd.s32 s3, s9;
	s6 =	sadd.s32 @!p0 $0x88, s6;
	s7 =	simm.s32 @p2 $0x1082  }
0x22: {  	[simem:s7], [sflag:s8] =	dma.local @!p0 [hbm:s6], $0xF7A  }
0x23: {  	s9 =	sor.u32 $0xD0000000, s2;
	s6 =	simm.s32 $0x108;
	_ =	swait.ge @!p0 [sflag:s8], $0x0  }
0x24: {  	s3 =	sadd.s32 $0x88, s3;
	s6 =	simm.s32 @!p1 $0x1082;
	[sflag:s4] =	ssyncset.s32 $0xFFFFF086  }
0x25: {  	[simem:s6], [sflag:s4] =	dma.local [hbm:s3], $0xF7A  }
0x26: {  	[smem:$0x3FA0] =	sst s1;
	(tag) =	ssettag s2;
	_ =	strace s9  }
0x27: {  	s1 =	sld [smem:$0x3FB0]  }
0x28: {  	s2 =	sld [smem:$0x3FB1]  }
0x29: {  	s4 =	sld [smem:$0x3FB3]  }
0x2a: {  	p0 =	seq.s32 s5, $0x0;
	s5 =	sld [smem:$0x3FB4]  }
0x2b: {  	s6 =	sld [smem:$0x3FB5]  }
0x2c: {  	s7 =	sld [smem:$0x3FB6]  }
0x2d: {  	s3 =	simm.s32 $0x108;
	s8 =	sld [smem:$0x3FB7]  }
0x2e: {  	s3 =	simm.s32 @!p0 $0x1082;
	s9 =	sld [smem:$0x3FB8]  }
0x2f: {  	lr =	sadd.s32 s0, s3;
	s0 =	sld [smem:$0x3FAF]  }
0x30: {  	s3 =	sld [smem:$0x3FB2]  }
0x31: {  	[smem:$0x3FBB] =	sst s10  }
0x32: {  	s10 =	sld [smem:$0x3FB9];
	_ =	sdelay $0x3  }
0x33: {  	p0 =	seq.s32 s10, $0x1;
	s10 =	sld [smem:$0x3FBB];
	_ =	sdelay $0x3  }
0x34: {  	[smem:$0x3FBB] =	sst s10  }
0x35: {  	s10 =	sld [smem:$0x3FBA];
	_ =	sdelay $0x3  }
0x36: {  	p1 =	seq.s32 s10, $0x1;
	s10 =	sld [smem:$0x3FBB];
	_ =	sdelay $0x3  }
0x37: {  	[smem:$0x3FBB] =	sst s10  }
0x38: {  	s10 =	sld [smem:$0x3FBC]  }
0x39: {  	_ = 	snop;
	(pc) =	sbr.ind lr, $3  }
0x3a: {  	_ = 	snop  }
0x3b: {  	_ = 	snop  }
0x3c: {  	p2 =	seq.s32 s10, $0x1;
	s10 =	sld [smem:$0x3FBB]  }
0x3d: {  	_ =	shalt  }
0x3e: {  	_ =	shalt  }
0x3f: {  	_ =	shalt  }
0x40: {  	_ =	shalt  }
0x41: {  	_ =	shalt  }
0x42: {  	_ =	shalt  }
0x43: {  	_ =	shalt  }
0x44: {  	_ =	shalt  }
0x45: {  	_ =	shalt  }
0x46: {  	_ =	shalt  }
0x47: {  	_ =	shalt  }
0x48: {  	_ =	shalt  }
0x49: {  	_ =	shalt  }
0x4a: {  	_ =	shalt  }
0x4b: {  	_ =	shalt  }
0x4c: {  	_ =	shalt  }
0x4d: {  	_ =	shalt  }
0x4e: {  	_ =	shalt  }
0x4f: {  	_ =	shalt  }
0x50: {  	_ =	shalt  }
0x51: {  	_ =	shalt  }
0x52: {  	_ =	shalt  }
0x53: {  	_ =	shalt  }
0x54: {  	_ =	shalt  }
0x55: {  	_ =	shalt  }
0x56: {  	_ =	shalt  }
0x57: {  	_ =	shalt  }
0x58: {  	_ =	shalt  }
0x59: {  	_ =	shalt  }
0x5a: {  	_ =	shalt  }
0x5b: {  	_ =	shalt  }
0x5c: {  	_ =	shalt  }
0x5d: {  	_ =	shalt  }
0x5e: {  	_ =	shalt  }
0x5f: {  	_ =	shalt  }
0x60: {  	_ =	shalt  }
0x61: {  	_ =	shalt  }
0x62: {  	_ =	shalt  }
0x63: {  	_ =	shalt  }
0x64: {  	_ =	shalt  }
0x65: {  	_ =	shalt  }
0x66: {  	_ =	shalt  }
0x67: {  	_ =	shalt  }
0x68: {  	_ =	shalt  }
0x69: {  	_ =	shalt  }
0x6a: {  	_ =	shalt  }
0x6b: {  	_ =	shalt  }
0x6c: {  	_ =	shalt  }
0x6d: {  	_ =	shalt  }
0x6e: {  	_ =	shalt  }
0x6f: {  	_ =	shalt  }
0x70: {  	_ =	shalt  }
0x71: {  	_ =	shalt  }
0x72: {  	_ =	shalt  }
0x73: {  	_ =	shalt  }
0x74: {  	_ =	shalt  }
0x75: {  	_ =	shalt  }
0x76: {  	_ =	shalt  }
0x77: {  	_ =	shalt  }
0x78: {  	_ =	shalt  }
0x79: {  	_ =	shalt  }
0x7a: {  	_ =	shalt  }
0x7b: {  	_ =	shalt  }
0x7c: {  	_ =	shalt  }
0x7d: {  	_ =	shalt  }
0x7e: {  	_ =	shalt  }
0x7f: {  	_ =	shalt  }
0x80: {  	_ =	shalt  }
0x81: {  	_ =	shalt  }
0x82: {  	_ =	shalt  }
0x83: {  	_ =	shalt  }
0x84: {  	_ =	shalt  }
0x85: {  	_ =	shalt  }
0x86: {  	_ =	shalt  }
0x87: {  	_ =	shalt  }
.Lfunc_end0:
.L_simem_size_0:
called_computation.1_lowered:
.L_overlay_start_0:
0x88: {  	s2 =	sld [smem:$0x3FD9]  }
0x89: {  	s3 =	sld [smem:$0x3FFE];
	_ =	sdelay $0x1  }
0x8a: {  	s1 =	srdreg.scid  }
0x8b: {  	s0 =	sand.u32 $0x1, s1  }
0x8c: {  	s17 =	sshll.u32 s0, $0xA;
	s2 =	sadd.s32 s3, s2  }
0x8d: {  	s2 =	sadd.s32 s2, s17  }
0x8e: {  	[smem:$0x3FC7] =	sst s2  }
0x8f: {  	_ = 	snop  }
0x90: {  	s2 =	sld [smem:$0x3FD0];
	(tm) =	ssettm $0x1  }
0x91: {  	s18 =	sld [smem:$0x3FFB];
	_ =	sdelay $0x3  }
0x92: {  	_ =	strace s18  }
0x93: {  	s3 =	sld [smem:$0x3FFC];
	_ =	sdelay $0x3  }
0x94: {  	_ =	strace s3  }
0x95: {  	s3 =	sld [smem:$0x3FFD];
	_ =	sdelay $0x3  }
0x96: {  	_ =	strace s3  }
0x97: {  	_ =	strace $0x8FFFFFFF  }
0x98: {  	s19 =	sld [smem:$0x3FDB];
	_ =	sdelay $0x1  }
0x99: {  	s4 =	simm.s32 $_scs_section_size  }
0x9a: {  	s5 =	simm.s32 $_size__tile_overlayer_lowered;
	s6 =	simm.s32 $_tile_overlayer_lowered  }
0x9b: {  	s22 =	simm.s32 $0x1BFF;
	s21 =	sshll.u32 s6, $0x1;
	s3 =	sadd.s32 s4, s19  }
0x9c: {  	s7 =	simm.s32 $0x0;
	s20 =	sshll.u32 s5, $0x1;
	s5 =	sadd.s32 s21, s3  }
0x9d: {  	[timem:s7], [sflag:s22] =	dma.local [hbm:s5], s20  }
0x9e: {  	_ =	swait.ge [sflag:s22], s20  }
0x9f: {  	s4 =	ssub.s32 $0x0, s20;
	[sflag:s22] =	ssyncset.done $0x0  }
0xa0: {  	[sflag:s22] =	ssyncadd.s32 s4;
	_ =	sdelay $0x1  }
0xa1: {  	s23 =	simm.s32 $0x1B8B  }
0xa2: {  	_ =	swait.ge [sflag:s23], $0x1  }
0xa3: {  	[sflag:s23] =	ssyncset.done $0x0  }
0xa4: {  	s25 =	simm.s32 $0x1B8E;
	s24 =	sld [smem:$0x3FFE];
	[sflag:s23] =	ssyncadd.s32 $0xFFFFFFFF  }
0xa5: {  	s26 =	simm.s32 $execute0_lowered;
	[smem:$0x3FD2] =	sst s25  }
0xa6: {  	s5 =	sshll.u32 s26, $0x1;
	_ =	strace $0x80000049;
	[dreg:$0x1] =	wrdreg $0xFFFFFFFF  }
0xa7: {  	s28 =	simm.s32 $_size_execute0_lowered;
	s3 =	sadd.s32 s3, s5;
	[dreg:$0x0] =	wrdreg $0x0  }
0xa8: {  	s5 =	sshll.u32 s28, $0x1;
	[dreg:$0x2] =	wrdreg s3  }
0xa9: {  	[dreg:$0x3] =	wrdreg s5  }
0xaa: {  	[dreg:$0x4] =	wrdreg $0xC0  }
0xab: {  	_ =	task [dreg:s7], $0x5FFFF  }
0xac: {  	[dreg:$0x1] =	wrdreg $0xFFFFFFFF  }
0xad: {  	[dreg:$0x0] =	wrdreg $0x60  }
0xae: {  	[dreg:$0x2] =	wrdreg s2  }
0xaf: {  	[dreg:$0x3] =	wrdreg s24  }
0xb0: {  	[dreg:$0x4] =	wrdreg $0x9  }
0xb1: {  	_ =	task.clear_ibuf [dreg:s7], $0x5FFFF;
	_ =	strace $0x90000049  }
0xb2: {  	s29 =	simm.s32 $0x9;
	_ =	strace $0x8000004B  }
0xb3: {  	_ =	swait.ge [sflag:s29], $0x1  }
0xb4: {  	[sflag:s29] =	ssyncadd.s32 $0xFFFFFFFF  }
0xb5: {  	_ =	strace $0x9000004B  }
0xb6: {  	_ =	sfence  }
0xb7: {  	s30 =	sld [smem:$0x0];
	_ =	sdelay $0x2  }
0xb8: {  	s31 =	sshll.u32 s1, $0xD;
	s1 =	sshrl.u32 s1, $0x2  }
0xb9: {  	s3 =	sand.u32 $0x4000, s31;
	s1 =	sadd.s32 s1, s30  }
0xba: {  	s0 =	sor.u32 s3, s0;
	s1 =	sshll.u32 s1, $0x11  }
0xbb: {  	s0 =	sor.u32 s1, s0  }
0xbc: {  	s0 =	sadd.s32 $0x8F2B, s0  }
0xbd: {  	[sflag:s0] =	ssyncadd.remote.s32 $0x1  }
0xbe: {  	_ =	sfence.sel $0xFFFF  }
0xbf: {  	[dreg:$0x0] =	wrdreg $0xFFFFFFFF;
	(pc) =	sbr.abs _section_cstart, $3  }
0xc0: {  	[dreg:$0x1] =	wrdreg $0xFFFFFFFF  }
0xc1: {  	_ =	task.clear_ibuf [dreg:s7], $0x2FFFF;
	_ =	strace $0x9FFFFFFF  }
0xc2: {  	(tm) =	ssettm $0x7FFFFFFF  }
0xc3: {  	_ =	shalt  }
tec
execute0_lowered:
.L_overlay_start_1:
0x0: {  	(tag) =	ssettag $0x1  }
0x1: {  	s1 =	rddreg [dreg:$0x0]  }
0x2: {  	s6 =	rddreg [dreg:$0x1]  }
0x3: {  	s0 =	rddreg [dreg:$0x2];
	s3 =	simm.s32 $0x0;
	s4 =	srdreg.scid  }
0x4: {  	s2 =	stileid.u32;
	s11 =	simm.s32 $0x1080;
	s12 =	simm.s32 $0x5  }
0x5: {  	s13 =	simm.s32 $0x5080;
	s14 =	simm.s32 $0x1;
	s15 =	simm.s32 $0x9080  }
0x6: {  	s16 =	simm.s32 $0x2;
	s17 =	simm.s32 $0x4;
	s18 =	simm.s32 $0xD080  }
0x7: {  	s19 =	simm.s32 $0x3;
	s20 =	simm.s32 $0x0;
	[smem:$0x7FF] =	sst s3  }
0x8: {  	s5 =	sand.u32 $0x1, s4;
	s7 =	sshll.u32 s2, $0x16;
	s4 =	sadd.s32 $0xA00, s6  }
0x9: {  	s6 =	sadd.s32 $0xE00, s6;
	s8 =	sshll.u32 s5, $0x15;
	s9 =	ssub.s32 $0x2, s5  }
0xa: {  	_ =	strace $0x8000004A;
	s5 =	sor.u32 s8, s7;
	s31 =	sshrl.u32 s9, $0x1  }
0xb: {  	s8 =	sshrl.u32 s5, $0x3;
	s10 =	ssub.s32 s9, s31;
	s9 =	sor.u32 $0x8000, s5  }
0xc: {  	s7 =	sadd.s32 s1, s8;
	s8 =	sor.u32 $0x4000, s5;
	s10 =	smax.u32 s10, $0x1  }
.LBB2_1:
0xd: {  	[tilespmem:s11], [sflag:$0x1] =	stream.linear.gather [hbm4b:s7+s3], $0x4000, $0x38;
	[tilespmem:$0x11080] =	vst v63  }
0xe: {  	_ = 	snop  }
0xf: {  	[tilespmem:s3], [sflag:$0x5] =	stream.linear.gather [hbm4b:s4+s3], $0x1080, $0x38;
	[tilespmem:$0x11080] =	vst v63  }
0x10: {  	_ =	swait.ge [sflag:s12], $0x1080  }
0x11: {  	[sflag:s12] =	ssyncset.done $0x0  }
0x12: {  	s21 =	simm.s32 $0x0;
	[sflag:s12] =	ssyncadd.s32 $0xFFFFEF80  }
.LBB2_2:
0x13: {  	s23 =	sshll.u32 s21, $0xF  }
0x14: {  	s22 =	sadd.s32 s8, s23  }
0x15: {  	s22 =	sshrl.u32 s22, $0x3  }
0x16: {  	s24 =	sadd.s32 s1, s22  }
0x17: {  	[tilespmem:s13], [sflag:$0x2] =	stream.linear.gather [hbm4b:s24+s3], $0x4000, $0x38;
	[tilespmem:$0x11080] =	vst v63  }
0x18: {  	_ =	swait.ge [sflag:s14], $0x4000  }
0x19: {  	p0 =	seq.s32 s21, $0x0;
	[sflag:s14] =	ssyncset.done $0x0  }
0x1a: {  	s24 =	simm.s32 @!p0 $0x3;
	[sflag:s14] =	ssyncadd.s32 $0xFFFFC000  }
0x1b: {  	_ =	swait.ge @!p0 [sflag:s24], $0x4000  }
0x1c: {  	[sflag:s24] =	ssyncset.done @!p0 $0x0  }
0x1d: {  	s30 =	simm.s32 $0x10C0;
	[sflag:s24] =	ssyncadd.s32 @!p0 $0xFFFFC000  }
0x1e: {  	v0 =	vld [tilespmem:s30+$0xFFFFFFC0]  }
0x1f: {  	v1 =	vld [tilespmem:s30+$0x30]  }
0x20: {  	v2 =	vld [tilespmem:s30+$0x20]  }
0x21: {  	v3 =	vld [tilespmem:s30+$0x0]  }
0x22: {  	v4 =	vld [tilespmem:s30+$0xFFFFFFD0]  }
0x23: {  	v5 =	vld [tilespmem:s30+$0x10]  }
0x24: {  	v6 =	vld [tilespmem:s30+$0xFFFFFFE0]  }
0x25: {  	s31 =	simm.s32 $0x1140;
	v7 =	vld [tilespmem:s30+$0xFFFFFFF0]  }
0x26: {  	v10 =	vld [tilespmem:s31+$0x20];
	v0 =	vmul.f32 $2.560000000e+02, v0  }
0x27: {  	v11 =	vld [tilespmem:s31+$0x30];
	v1 =	vmul.f32 $2.560000000e+02, v1;
	v2 =	vmul.f32 $2.560000000e+02, v2  }
0x28: {  	v3 =	vmul.f32 $2.560000000e+02, v3;
	v4 =	vmul.f32 $2.560000000e+02, v4  }
0x29: {  	v5 =	vmul.f32 $2.560000000e+02, v5;
	v6 =	vmul.f32 $2.560000000e+02, v6;
	v0 =	vadd.f32 $1.258291200e+07, v0  }
0x2a: {  	v7 =	vmul.f32 $2.560000000e+02, v7;
	v1 =	vadd.f32 $1.258291200e+07, v1;
	v2 =	vadd.f32 $1.258291200e+07, v2  }
0x2b: {  	v10 =	vmul.f32 $2.560000000e+02, v10;
	v4 =	vadd.f32 $1.258291200e+07, v4;
	v3 =	vadd.f32 $1.258291200e+07, v3  }
0x2c: {  	v11 =	vmul.f32 $2.560000000e+02, v11;
	v5 =	vadd.f32 $1.258291200e+07, v5;
	v7 =	vadd.f32 $1.258291200e+07, v7  }
0x2d: {  	v6 =	vadd.f32 $1.258291200e+07, v6;
	v10 =	vadd.f32 $1.258291200e+07, v10  }
0x2e: {  	v11 =	vadd.f32 $1.258291200e+07, v11;
	v2 =	vadd.f32 $-1.258086400e+07, v2  }
0x2f: {  	v0 =	vadd.f32 $-1.258086400e+07, v0;
	v1 =	vadd.f32 $-1.258086400e+07, v1  }
0x30: {  	v5 =	vadd.f32 $-1.258086400e+07, v5;
	v7 =	vadd.f32 $-1.258086400e+07, v7;
	v2 =	vmax.f32 v2, $0.0e+00  }
0x31: {  	v8 =	vld [tilespmem:s31+$0x0];
	v6 =	vadd.f32 $-1.258086400e+07, v6;
	v0 =	vmax.f32 v0, $0.0e+00;
	v2 =	vmin.f32 v2, $4.096000000e+03  }
0x32: {  	v9 =	vld [tilespmem:s31+$0xFFFFFFC0];
	v5 =	vmax.f32 v5, $0.0e+00;
	v0 =	vmin.f32 v0, $4.096000000e+03;
	v2 =	vtrunc.f32 v2  }
0x33: {  	v5 =	vmin.f32 v5, $4.096000000e+03;
	v0 =	vtrunc.f32 v0;
	v2 =	vcvt.f32.s32 v2  }
0x34: {  	v1 =	vmax.f32 v1, $0.0e+00;
	v5 =	vtrunc.f32 v5;
	v0 =	vcvt.f32.s32 v0  }
0x35: {  	v12 =	vld [tilespmem:s31+$0xFFFFFFD0];
	v3 =	vadd.f32 $-1.258086400e+07, v3;
	v1 =	vmin.f32 v1, $4.096000000e+03;
	v5 =	vcvt.f32.s32 v5  }
0x36: {  	v7 =	vmax.f32 v7, $0.0e+00;
	v6 =	vmax.f32 v6, $0.0e+00;
	v13 =	vtrunc.f32 v1  }
0x37: {  	v6 =	vmin.f32 v6, $4.096000000e+03;
	v1 =	vmul.f32 $2.560000000e+02, v9;
	v9 =	vmul.f32 $2.560000000e+02, v8;
	v8 =	vld [tilespmem:s31+$0x10]  }
0x38: {  	v14 =	vld [tilespmem:s31+$0xFFFFFFE0];
	v4 =	vadd.f32 $-1.258086400e+07, v4;
	v7 =	vmin.f32 v7, $4.096000000e+03;
	v6 =	vtrunc.f32 v6  }
0x39: {  	v11 =	vadd.f32 $-1.258086400e+07, v11;
	v7 =	vtrunc.f32 v7;
	v16 =	vcvt.f32.s32 v6;
	v2 =	vld.idx.msk [tilespmem:v2+s3+$0x0], $0xffff  }
0x3a: {  	v4 =	vmax.f32 v4, $0.0e+00;
	v6 =	vmul.f32 $2.560000000e+02, v12;
	v12 =	vcvt.f32.s32 v7;
	v15 =	vld.idx.msk [tilespmem:v0+s3+$0x0], $0xffff  }
0x3b: {  	v10 =	vadd.f32 $-1.258086400e+07, v10;
	v4 =	vmin.f32 v4, $4.096000000e+03;
	v1 =	vadd.f32 $1.258291200e+07, v1;
	v17 =	vld.idx.msk [tilespmem:v5+s3+$0x0], $0xffff  }
0x3c: {  	v18 =	vmax.f32 v11, $0.0e+00;
	v4 =	vtrunc.f32 v4;
	v7 =	vmul.f32 $2.560000000e+02, v8;
	v5 =	vld [tilespmem:s31+$0xFFFFFFF0]  }
0x3d: {  	v0 =	vadd.f32 $-1.258086400e+07, v1;
	v1 =	vcvt.f32.s32 v4;
	v4 =	vadd.f32 $1.258291200e+07, v6  }
0x3e: {  	s25 =	simm.s32 $0x90C0;
	v6 =	vmul.f32 $2.560000000e+02, v14;
	v14 =	vmax.f32 v3, $0.0e+00;
	v3 =	vmax.f32 v10, $0.0e+00  }
0x3f: {  	v10 =	vmin.f32 v3, $4.096000000e+03;
	v8 =	vmax.f32 v0, $0.0e+00;
	v0 =	vadd.f32 $1.258291200e+07, v9;
	[tilespmem:s25+$0x20] =	vst v2  }
0x40: {  	s29 =	simm.s32 $0x11C0;
	v3 =	vld.idx.msk [tilespmem:v12+s3+$0x0], $0xffff;
	v12 =	vmin.f32 v14, $4.096000000e+03;
	v9 =	vadd.f32 $1.258291200e+07, v7;
	v7 =	vcvt.f32.s32 v13;
	[tilespmem:s25+$0xFFFFFFC0] =	vst v15  }
0x41: {  	s28 =	simm.s32 $0x8;
	s26 =	simm.s32 $0x90C0;
	s24 =	sor.u32 s5, s23;
	v0 =	vadd.f32 $-1.258086400e+07, v0;
	v2 =	vld.idx.msk [tilespmem:v16+s3+$0x0], $0xffff;
	v11 =	vmul.f32 $2.560000000e+02, v5;
	v5 =	vmin.f32 v18, $4.096000000e+03;
	[tilespmem:s25+$0x10] =	vst v17  }
.LBB2_3:
0x42: {  	v13 =	vld [tilespmem:s29+$0x0];
	s28 =	sadd.s32 $0x8, s28;
	v9 =	vadd.f32 $-1.258086400e+07, v9;
	v10 =	vtrunc.f32 v10;
	v12 =	vtrunc.f32 v12;
	s25 =	sadd.s32 $0x80, s25  }
0x43: {  	v14 =	vld [tilespmem:s29+$0x20];
	p1 =	slt.u32 s28, $0x3F8;
	v11 =	vadd.f32 $1.258291200e+07, v11;
	v10 =	vcvt.f32.s32 v10;
	v12 =	vcvt.f32.s32 v12  }
0x44: {  	v8 =	vmin.f32 v8, $4.096000000e+03;
	v6 =	vadd.f32 $1.258291200e+07, v6;
	v15 =	vld [tilespmem:s29+$0xFFFFFFC0];
	v9 =	vmax.f32 v9, $0.0e+00  }
0x45: {  	v4 =	vadd.f32 $-1.258086400e+07, v4;
	v16 =	vld [tilespmem:s29+$0x30];
	v11 =	vadd.f32 $-1.258086400e+07, v11;
	v9 =	vmin.f32 v9, $4.096000000e+03  }
0x46: {  	v8 =	vtrunc.f32 v8;
	v6 =	vadd.f32 $-1.258086400e+07, v6;
	v9 =	vtrunc.f32 v9;
	[tilespmem:s26+$0xFFFFFFE0] =	vst v2;
	v2 =	vld.idx.msk [tilespmem:v7+s3+$0x0], $0xffff  }
0x47: {  	v7 =	vcvt.f32.s32 v8;
	v8 =	vmax.f32 v11, $0.0e+00;
	v9 =	vcvt.f32.s32 v9;
	v1 =	vld.idx.msk [tilespmem:v1+s3+$0x0], $0xffff;
	[tilespmem:s26+$0xFFFFFFF0] =	vst v3  }
0x48: {  	v5 =	vtrunc.f32 v5;
	v4 =	vmax.f32 v4, $0.0e+00;
	v6 =	vmax.f32 v6, $0.0e+00;
	v3 =	vld [tilespmem:s29+$0xFFFFFFD0]  }
0x49: {  	v6 =	vmin.f32 v6, $4.096000000e+03;
	v8 =	vmin.f32 v8, $4.096000000e+03;
	v11 =	vmul.f32 $2.560000000e+02, v15;
	v12 =	vld.idx.msk [tilespmem:v12+s3+$0x0], $0xffff  }
0x4a: {  	v4 =	vmin.f32 v4, $4.096000000e+03;
	v13 =	vmul.f32 $2.560000000e+02, v13;
	v8 =	vtrunc.f32 v8;
	v15 =	vld [tilespmem:s29+$0x10]  }
0x4b: {  	v14 =	vmul.f32 $2.560000000e+02, v14;
	v16 =	vmul.f32 $2.560000000e+02, v16;
	v11 =	vadd.f32 $1.258291200e+07, v11;
	v17 =	vld [tilespmem:s29+$0xFFFFFFE0]  }
0x4c: {  	v4 =	vtrunc.f32 v4;
	v6 =	vtrunc.f32 v6;
	v10 =	vld.idx.msk [tilespmem:v10+s3+$0x0], $0xffff;
	[tilespmem:s26+$0x30] =	vst v2  }
0x4d: {  	v2 =	vadd.f32 $1.258291200e+07, v14;
	v14 =	vadd.f32 $1.258291200e+07, v16;
	v16 =	vcvt.f32.s32 v6;
	v7 =	vld.idx.msk [tilespmem:v7+s3+$0x0], $0xffff;
	[tilespmem:s26+$0xFFFFFFD0] =	vst v1  }
0x4e: {  	v18 =	vcvt.f32.s32 v8;
	v11 =	vadd.f32 $-1.258086400e+07, v11;
	v3 =	vmul.f32 $2.560000000e+02, v3;
	v19 =	vld.idx.msk [tilespmem:v9+s3+$0x0], $0xffff  }
0x4f: {  	v1 =	vcvt.f32.s32 v4;
	v14 =	vadd.f32 $-1.258086400e+07, v14;
	v20 =	vld [tilespmem:s29+$0xFFFFFFF0];
	v9 =	vmul.f32 $2.560000000e+02, v15;
	[tilespmem:s26+$0x0] =	vst v12;
	s26 =	smov.u32 s25  }
.Ltmp0:
0x50: {  	v2 =	vadd.f32 $-1.258086400e+07, v2;
	v4 =	vadd.f32 $1.258291200e+07, v3;
	v6 =	vmul.f32 $2.560000000e+02, v17;
	(pc) =	sbr.rel @p1 .LBB2_3-.Ltmp0, $4  }
0x51: {  	v8 =	vmax.f32 v11, $0.0e+00;
	v3 =	vadd.f32 $1.258291200e+07, v13;
	v12 =	vmax.f32 v0, $0.0e+00  }
0x52: {  	v2 =	vmax.f32 v2, $0.0e+00;
	v13 =	vmax.f32 v14, $0.0e+00;
	v9 =	vadd.f32 $1.258291200e+07, v9;
	[tilespmem:s25+$0x20] =	vst v10  }
0x53: {  	v0 =	vadd.f32 $-1.258086400e+07, v3;
	v10 =	vmin.f32 v2, $4.096000000e+03;
	[tilespmem:s25+$0xFFFFFFC0] =	vst v7;
	v2 =	vld.idx.msk [tilespmem:v16+s3+$0x0], $0xffff;
	v7 =	vcvt.f32.s32 v5  }
0x54: {  	s29 =	sadd.s32 $0x80, s29;
	v12 =	vmin.f32 v12, $4.096000000e+03;
	v5 =	vmin.f32 v13, $4.096000000e+03;
	v11 =	vmul.f32 $2.560000000e+02, v20;
	v3 =	vld.idx.msk [tilespmem:v18+s3+$0x0], $0xffff;
	[tilespmem:s25+$0x10] =	vst v19  }
0x55: {  	v9 =	vadd.f32 $-1.258086400e+07, v9;
	v10 =	vtrunc.f32 v10  }
0x56: {  	v12 =	vtrunc.f32 v12;
	v6 =	vadd.f32 $1.258291200e+07, v6;
	v8 =	vmin.f32 v8, $4.096000000e+03  }
0x57: {  	v4 =	vadd.f32 $-1.258086400e+07, v4;
	v5 =	vtrunc.f32 v5;
	v0 =	vmax.f32 v0, $0.0e+00  }
0x58: {  	v11 =	vadd.f32 $1.258291200e+07, v11;
	v10 =	vcvt.f32.s32 v10;
	v12 =	vcvt.f32.s32 v12  }
0x59: {  	v8 =	vtrunc.f32 v8;
	v5 =	vcvt.f32.s32 v5;
	v0 =	vmin.f32 v0, $4.096000000e+03  }
0x5a: {  	v9 =	vmax.f32 v9, $0.0e+00;
	v6 =	vadd.f32 $-1.258086400e+07, v6;
	v8 =	vcvt.f32.s32 v8  }
0x5b: {  	v4 =	vmax.f32 v4, $0.0e+00;
	v0 =	vtrunc.f32 v0;
	v11 =	vadd.f32 $-1.258086400e+07, v11  }
0x5c: {  	v9 =	vmin.f32 v9, $4.096000000e+03;
	v4 =	vmin.f32 v4, $4.096000000e+03;
	v0 =	vcvt.f32.s32 v0  }
0x5d: {  	v7 =	vld.idx.msk [tilespmem:v7+s3+$0x0], $0xffff;
	v9 =	vtrunc.f32 v9;
	v6 =	vmax.f32 v6, $0.0e+00;
	v4 =	vtrunc.f32 v4  }
0x5e: {  	v1 =	vld.idx.msk [tilespmem:v1+s3+$0x0], $0xffff;
	v11 =	vmax.f32 v11, $0.0e+00;
	v9 =	vcvt.f32.s32 v9;
	v6 =	vmin.f32 v6, $4.096000000e+03  }
0x5f: {  	v4 =	vcvt.f32.s32 v4;
	v11 =	vmin.f32 v11, $4.096000000e+03;
	v6 =	vtrunc.f32 v6;
	v12 =	vld.idx.msk [tilespmem:v12+s3+$0x0], $0xffff  }
0x60: {  	[tilespmem:s26+$0xFFFFFFE0] =	vst v2;
	v11 =	vtrunc.f32 v11;
	v6 =	vcvt.f32.s32 v6;
	v57 =	vld.idx.msk [tilespmem:v10+s3+$0x0], $0xffff  }
0x61: {  	[tilespmem:s26+$0xFFFFFFF0] =	vst v3;
	v62 =	vld.idx.msk [tilespmem:v5+s3+$0x0], $0xffff;
	v11 =	vcvt.f32.s32 v11  }
0x62: {  	[tilespmem:s26+$0x30] =	vst v7;
	v58 =	vld.idx.msk [tilespmem:v8+s3+$0x0], $0xffff  }
0x63: {  	[tilespmem:s26+$0xFFFFFFD0] =	vst v1;
	v0 =	vld.idx.msk [tilespmem:v0+s3+$0x0], $0xffff  }
0x64: {  	s25 =	sadd.s32 $0x80, s25;
	v59 =	vld.idx.msk [tilespmem:v9+s3+$0x0], $0xffff;
	[tilespmem:s26+$0x0] =	vst v12  }
0x65: {  	v63 =	vld.idx.msk [tilespmem:v4+s3+$0x0], $0xffff;
	[tilespmem:s25+$0x20] =	vst v57  }
0x66: {  	[tilespmem:s25+$0x30] =	vst v62;
	v60 =	vld.idx.msk [tilespmem:v6+s3+$0x0], $0xffff  }
0x67: {  	[tilespmem:s25+$0xFFFFFFC0] =	vst v58;
	v61 =	vld.idx.msk [tilespmem:v11+s3+$0x0], $0xffff  }
0x68: {  	p1 =	sne.s32 s21, $0x3F;
	[tilespmem:s25+$0x0] =	vst v0  }
.Ltmp1:
0x69: {  	[tilespmem:s25+$0x10] =	vst v59;
	(pc) =	sbr.rel @p1 .LBB2_6-.Ltmp1, $4  }
0x6a: {  	[tilespmem:s25+$0xFFFFFFD0] =	vst v63  }
0x6b: {  	s24 =	sshrl.u32 s24, $0x3;
	[tilespmem:s25+$0xFFFFFFE0] =	vst v60  }
0x6c: {  	s24 =	sadd.s32 s6, s24;
	[tilespmem:s25+$0xFFFFFFF0] =	vst v61  }
0x6d: {  	[hbm4b:s24+s3] =	stream.linear.scatter [tilespmem:s15], [sflag:$0x3], $0x4000, $0x38;
	[tilespmem:$0x11080] =	vst v63  }
.Ltmp2:
0x6e: {  	(pc) =	sbr.rel .LBB2_7-.Ltmp2, $4  }
0x6f: {  	_ = 	snop  }
0x70: {  	_ =	swait.ge [sflag:s16], $0x4000  }
0x71: {  	[sflag:s16] =	ssyncset.done $0x0  }
0x72: {  	[sflag:s16] =	ssyncadd.s32 $0xFFFFC000  }
.LBB2_6:
0x73: {  	s23 =	sadd.s32 s23, s9  }
0x74: {  	s23 =	sshrl.u32 s23, $0x3  }
.Ltmp3:
0x75: {  	s23 =	sadd.s32 s1, s23;
	(pc) =	sbr.rel @p0 .LBB2_8-.Ltmp3, $4  }
0x76: {  	[tilespmem:s11], [sflag:$0x1] =	stream.linear.gather [hbm4b:s23+s3], $0x4000, $0x38;
	[tilespmem:$0x11080] =	vst v63  }
0x77: {  	_ =	swait.ge [sflag:s16], $0x4000  }
0x78: {  	[sflag:s16] =	ssyncset.done $0x0  }
0x79: {  	[sflag:s16] =	ssyncadd.s32 $0xFFFFC000  }
.LBB2_7:
0x7a: {  	_ =	swait.ge [sflag:s17], $0x4000  }
0x7b: {  	[sflag:s17] =	ssyncset.done $0x0  }
0x7c: {  	[sflag:s17] =	ssyncadd.s32 $0xFFFFC000  }
.LBB2_8:
0x7d: {  	s23 =	simm.s32 $0x50C0  }
0x7e: {  	v0 =	vld [tilespmem:s23+$0xFFFFFFC0]  }
0x7f: {  	v1 =	vld [tilespmem:s23+$0x30]  }
0x80: {  	v2 =	vld [tilespmem:s23+$0x20]  }
0x81: {  	v3 =	vld [tilespmem:s23+$0x0]  }
0x82: {  	v4 =	vld [tilespmem:s23+$0xFFFFFFD0]  }
0x83: {  	v5 =	vld [tilespmem:s23+$0x10]  }
0x84: {  	v6 =	vld [tilespmem:s23+$0xFFFFFFE0]  }
0x85: {  	s31 =	simm.s32 $0x5140;
	v7 =	vld [tilespmem:s23+$0xFFFFFFF0]  }
0x86: {  	v10 =	vld [tilespmem:s31+$0x20];
	v0 =	vmul.f32 $2.560000000e+02, v0;
	v1 =	vmul.f32 $2.560000000e+02, v1  }
0x87: {  	v11 =	vld [tilespmem:s31+$0x30];
	v2 =	vmul.f32 $2.560000000e+02, v2;
	v3 =	vmul.f32 $2.560000000e+02, v3  }
0x88: {  	v4 =	vmul.f32 $2.560000000e+02, v4;
	v5 =	vmul.f32 $2.560000000e+02, v5  }
0x89: {  	v12 =	vld [tilespmem:s31+$0xFFFFFFD0];
	v6 =	vmul.f32 $2.560000000e+02, v6;
	v0 =	vadd.f32 $1.258291200e+07, v0;
	v1 =	vadd.f32 $1.258291200e+07, v1  }
0x8a: {  	v7 =	vmul.f32 $2.560000000e+02, v7;
	v2 =	vadd.f32 $1.258291200e+07, v2;
	v4 =	vadd.f32 $1.258291200e+07, v4  }
0x8b: {  	v10 =	vmul.f32 $2.560000000e+02, v10;
	v3 =	vadd.f32 $1.258291200e+07, v3;
	v5 =	vadd.f32 $1.258291200e+07, v5  }
0x8c: {  	v11 =	vmul.f32 $2.560000000e+02, v11;
	v7 =	vadd.f32 $1.258291200e+07, v7;
	v6 =	vadd.f32 $1.258291200e+07, v6  }
0x8d: {  	v10 =	vadd.f32 $1.258291200e+07, v10;
	v2 =	vadd.f32 $-1.258086400e+07, v2  }
0x8e: {  	v12 =	vmul.f32 $2.560000000e+02, v12;
	v11 =	vadd.f32 $1.258291200e+07, v11;
	v0 =	vadd.f32 $-1.258086400e+07, v0  }
0x8f: {  	v1 =	vadd.f32 $-1.258086400e+07, v1;
	v5 =	vadd.f32 $-1.258086400e+07, v5;
	v2 =	vmax.f32 v2, $0.0e+00  }
0x90: {  	v3 =	vadd.f32 $-1.258086400e+07, v3;
	v0 =	vmax.f32 v0, $0.0e+00;
	v2 =	vmin.f32 v2, $4.096000000e+03  }
0x91: {  	v8 =	vld [tilespmem:s31+$0x0];
	v5 =	vmax.f32 v5, $0.0e+00;
	v0 =	vmin.f32 v0, $4.096000000e+03;
	v2 =	vtrunc.f32 v2  }
0x92: {  	v9 =	vld [tilespmem:s31+$0xFFFFFFC0];
	v5 =	vmin.f32 v5, $4.096000000e+03;
	v0 =	vtrunc.f32 v0;
	v2 =	vcvt.f32.s32 v2  }
0x93: {  	v7 =	vadd.f32 $-1.258086400e+07, v7;
	v5 =	vtrunc.f32 v5;
	v0 =	vcvt.f32.s32 v0  }
0x94: {  	v6 =	vadd.f32 $-1.258086400e+07, v6;
	v1 =	vmax.f32 v1, $0.0e+00;
	v5 =	vcvt.f32.s32 v5  }
0x95: {  	v4 =	vadd.f32 $-1.258086400e+07, v4;
	v11 =	vadd.f32 $-1.258086400e+07, v11;
	v1 =	vmin.f32 v1, $4.096000000e+03  }
0x96: {  	v14 =	vld [tilespmem:s31+$0xFFFFFFE0];
	v7 =	vmax.f32 v7, $0.0e+00;
	v6 =	vmax.f32 v6, $0.0e+00;
	v13 =	vtrunc.f32 v1  }
0x97: {  	v6 =	vmin.f32 v6, $4.096000000e+03;
	v1 =	vmul.f32 $2.560000000e+02, v9;
	v9 =	vmul.f32 $2.560000000e+02, v8;
	v8 =	vld [tilespmem:s31+$0x10]  }
0x98: {  	v10 =	vadd.f32 $-1.258086400e+07, v10;
	v7 =	vmin.f32 v7, $4.096000000e+03;
	v6 =	vtrunc.f32 v6;
	v2 =	vld.idx.msk [tilespmem:v2+s3+$0x0], $0xffff  }
0x99: {  	v4 =	vmax.f32 v4, $0.0e+00;
	v7 =	vtrunc.f32 v7;
	v6 =	vcvt.f32.s32 v6;
	v15 =	vld.idx.msk [tilespmem:v0+s3+$0x0], $0xffff  }
0x9a: {  	v4 =	vmin.f32 v4, $4.096000000e+03;
	v16 =	vcvt.f32.s32 v7;
	v1 =	vadd.f32 $1.258291200e+07, v1;
	v17 =	vld.idx.msk [tilespmem:v5+s3+$0x0], $0xffff  }
0x9b: {  	v4 =	vtrunc.f32 v4;
	v7 =	vmul.f32 $2.560000000e+02, v14;
	v14 =	vmax.f32 v11, $0.0e+00;
	v5 =	vld [tilespmem:s31+$0xFFFFFFF0]  }
0x9c: {  	v18 =	vmul.f32 $2.560000000e+02, v8;
	v0 =	vadd.f32 $-1.258086400e+07, v1;
	v1 =	vcvt.f32.s32 v4  }
0x9d: {  	s23 =	simm.s32 $0xD0C0;
	v4 =	vadd.f32 $1.258291200e+07, v12;
	v12 =	vmax.f32 v3, $0.0e+00;
	v3 =	vmax.f32 v10, $0.0e+00  }
0x9e: {  	v10 =	vmin.f32 v3, $4.096000000e+03;
	v8 =	vmax.f32 v0, $0.0e+00;
	v0 =	vadd.f32 $1.258291200e+07, v9;
	[tilespmem:s23+$0x20] =	vst v2  }
0x9f: {  	s26 =	simm.s32 $0x51C0;
	v12 =	vmin.f32 v12, $4.096000000e+03;
	v9 =	vadd.f32 $1.258291200e+07, v18;
	[tilespmem:s23+$0xFFFFFFC0] =	vst v15;
	v2 =	vld.idx.msk [tilespmem:v6+s3+$0x0], $0xffff;
	v6 =	vcvt.f32.s32 v13  }
0xa0: {  	s25 =	simm.s32 $0x8;
	s24 =	simm.s32 $0xD0C0;
	v3 =	vld.idx.msk [tilespmem:v16+s3+$0x0], $0xffff;
	v0 =	vadd.f32 $-1.258086400e+07, v0;
	v11 =	vmul.f32 $2.560000000e+02, v5;
	v5 =	vmin.f32 v14, $4.096000000e+03;
	[tilespmem:s23+$0x10] =	vst v17  }
.LBB2_9:
0xa1: {  	v13 =	vld [tilespmem:s26+$0x0];
	s25 =	sadd.s32 $0x8, s25;
	v9 =	vadd.f32 $-1.258086400e+07, v9;
	v10 =	vtrunc.f32 v10;
	v12 =	vtrunc.f32 v12;
	s23 =	sadd.s32 $0x80, s23  }
0xa2: {  	v14 =	vld [tilespmem:s26+$0x20];
	p0 =	slt.u32 s25, $0x3F8;
	v11 =	vadd.f32 $1.258291200e+07, v11;
	v10 =	vcvt.f32.s32 v10;
	v12 =	vcvt.f32.s32 v12  }
0xa3: {  	v8 =	vmin.f32 v8, $4.096000000e+03;
	v7 =	vadd.f32 $1.258291200e+07, v7;
	v15 =	vld [tilespmem:s26+$0xFFFFFFC0];
	v9 =	vmax.f32 v9, $0.0e+00  }
0xa4: {  	v4 =	vadd.f32 $-1.258086400e+07, v4;
	v16 =	vld [tilespmem:s26+$0x30];
	v11 =	vadd.f32 $-1.258086400e+07, v11;
	v9 =	vmin.f32 v9, $4.096000000e+03  }
0xa5: {  	v8 =	vtrunc.f32 v8;
	v7 =	vadd.f32 $-1.258086400e+07, v7;
	v9 =	vtrunc.f32 v9;
	[tilespmem:s24+$0xFFFFFFE0] =	vst v2;
	v2 =	vld.idx.msk [tilespmem:v6+s3+$0x0], $0xffff  }
0xa6: {  	v6 =	vcvt.f32.s32 v8;
	v8 =	vmax.f32 v11, $0.0e+00;
	v9 =	vcvt.f32.s32 v9;
	v1 =	vld.idx.msk [tilespmem:v1+s3+$0x0], $0xffff;
	[tilespmem:s24+$0xFFFFFFF0] =	vst v3  }
0xa7: {  	v5 =	vtrunc.f32 v5;
	v4 =	vmax.f32 v4, $0.0e+00;
	v7 =	vmax.f32 v7, $0.0e+00;
	v3 =	vld [tilespmem:s26+$0xFFFFFFD0]  }
0xa8: {  	v7 =	vmin.f32 v7, $4.096000000e+03;
	v8 =	vmin.f32 v8, $4.096000000e+03;
	v11 =	vmul.f32 $2.560000000e+02, v15;
	v12 =	vld.idx.msk [tilespmem:v12+s3+$0x0], $0xffff  }
0xa9: {  	v4 =	vmin.f32 v4, $4.096000000e+03;
	v13 =	vmul.f32 $2.560000000e+02, v13;
	v8 =	vtrunc.f32 v8;
	v15 =	vld [tilespmem:s26+$0x10]  }
0xaa: {  	v14 =	vmul.f32 $2.560000000e+02, v14;
	v16 =	vmul.f32 $2.560000000e+02, v16;
	v11 =	vadd.f32 $1.258291200e+07, v11;
	v17 =	vld [tilespmem:s26+$0xFFFFFFE0]  }
0xab: {  	v4 =	vtrunc.f32 v4;
	v7 =	vtrunc.f32 v7;
	v10 =	vld.idx.msk [tilespmem:v10+s3+$0x0], $0xffff;
	[tilespmem:s24+$0x30] =	vst v2  }
0xac: {  	v2 =	vadd.f32 $1.258291200e+07, v14;
	v14 =	vadd.f32 $1.258291200e+07, v16;
	v16 =	vcvt.f32.s32 v7;
	v6 =	vld.idx.msk [tilespmem:v6+s3+$0x0], $0xffff;
	[tilespmem:s24+$0xFFFFFFD0] =	vst v1  }
0xad: {  	v18 =	vcvt.f32.s32 v8;
	v11 =	vadd.f32 $-1.258086400e+07, v11;
	v3 =	vmul.f32 $2.560000000e+02, v3;
	v19 =	vld.idx.msk [tilespmem:v9+s3+$0x0], $0xffff  }
0xae: {  	v1 =	vcvt.f32.s32 v4;
	v14 =	vadd.f32 $-1.258086400e+07, v14;
	v20 =	vld [tilespmem:s26+$0xFFFFFFF0];
	v9 =	vmul.f32 $2.560000000e+02, v15;
	[tilespmem:s24+$0x0] =	vst v12;
	s24 =	smov.u32 s23  }
.Ltmp4:
0xaf: {  	v2 =	vadd.f32 $-1.258086400e+07, v2;
	v4 =	vadd.f32 $1.258291200e+07, v3;
	v7 =	vmul.f32 $2.560000000e+02, v17;
	(pc) =	sbr.rel @p0 .LBB2_9-.Ltmp4, $4  }
0xb0: {  	v8 =	vmax.f32 v11, $0.0e+00;
	v3 =	vadd.f32 $1.258291200e+07, v13;
	v12 =	vmax.f32 v0, $0.0e+00  }
0xb1: {  	v2 =	vmax.f32 v2, $0.0e+00;
	v13 =	vmax.f32 v14, $0.0e+00;
	v9 =	vadd.f32 $1.258291200e+07, v9;
	[tilespmem:s23+$0x20] =	vst v10  }
0xb2: {  	v0 =	vadd.f32 $-1.258086400e+07, v3;
	v10 =	vmin.f32 v2, $4.096000000e+03;
	[tilespmem:s23+$0xFFFFFFC0] =	vst v6;
	v2 =	vld.idx.msk [tilespmem:v16+s3+$0x0], $0xffff;
	v6 =	vcvt.f32.s32 v5  }
0xb3: {  	s26 =	sadd.s32 $0x80, s26;
	v12 =	vmin.f32 v12, $4.096000000e+03;
	v5 =	vmin.f32 v13, $4.096000000e+03;
	v11 =	vmul.f32 $2.560000000e+02, v20;
	v3 =	vld.idx.msk [tilespmem:v18+s3+$0x0], $0xffff;
	[tilespmem:s23+$0x10] =	vst v19  }
0xb4: {  	v9 =	vadd.f32 $-1.258086400e+07, v9;
	v10 =	vtrunc.f32 v10  }
0xb5: {  	v12 =	vtrunc.f32 v12;
	v7 =	vadd.f32 $1.258291200e+07, v7;
	v8 =	vmin.f32 v8, $4.096000000e+03  }
0xb6: {  	v4 =	vadd.f32 $-1.258086400e+07, v4;
	v5 =	vtrunc.f32 v5;
	v0 =	vmax.f32 v0, $0.0e+00  }
0xb7: {  	v11 =	vadd.f32 $1.258291200e+07, v11;
	v10 =	vcvt.f32.s32 v10;
	v12 =	vcvt.f32.s32 v12  }
0xb8: {  	v8 =	vtrunc.f32 v8;
	v5 =	vcvt.f32.s32 v5;
	v0 =	vmin.f32 v0, $4.096000000e+03  }
0xb9: {  	v9 =	vmax.f32 v9, $0.0e+00;
	v7 =	vadd.f32 $-1.258086400e+07, v7;
	v8 =	vcvt.f32.s32 v8  }
0xba: {  	v4 =	vmax.f32 v4, $0.0e+00;
	v0 =	vtrunc.f32 v0;
	v11 =	vadd.f32 $-1.258086400e+07, v11  }
0xbb: {  	v9 =	vmin.f32 v9, $4.096000000e+03;
	v4 =	vmin.f32 v4, $4.096000000e+03;
	v0 =	vcvt.f32.s32 v0  }
0xbc: {  	v6 =	vld.idx.msk [tilespmem:v6+s3+$0x0], $0xffff;
	v9 =	vtrunc.f32 v9;
	v7 =	vmax.f32 v7, $0.0e+00;
	v4 =	vtrunc.f32 v4  }
0xbd: {  	v1 =	vld.idx.msk [tilespmem:v1+s3+$0x0], $0xffff;
	v11 =	vmax.f32 v11, $0.0e+00;
	v9 =	vcvt.f32.s32 v9;
	v7 =	vmin.f32 v7, $4.096000000e+03  }
0xbe: {  	v4 =	vcvt.f32.s32 v4;
	v11 =	vmin.f32 v11, $4.096000000e+03;
	v7 =	vtrunc.f32 v7;
	v12 =	vld.idx.msk [tilespmem:v12+s3+$0x0], $0xffff  }
0xbf: {  	[tilespmem:s24+$0xFFFFFFE0] =	vst v2;
	v11 =	vtrunc.f32 v11;
	v7 =	vcvt.f32.s32 v7;
	v57 =	vld.idx.msk [tilespmem:v10+s3+$0x0], $0xffff  }
0xc0: {  	[tilespmem:s24+$0xFFFFFFF0] =	vst v3;
	v62 =	vld.idx.msk [tilespmem:v5+s3+$0x0], $0xffff;
	v11 =	vcvt.f32.s32 v11  }
0xc1: {  	[tilespmem:s24+$0x30] =	vst v6;
	v58 =	vld.idx.msk [tilespmem:v8+s3+$0x0], $0xffff  }
0xc2: {  	[tilespmem:s24+$0xFFFFFFD0] =	vst v1;
	v0 =	vld.idx.msk [tilespmem:v0+s3+$0x0], $0xffff  }
0xc3: {  	s23 =	sadd.s32 $0x80, s23;
	v59 =	vld.idx.msk [tilespmem:v9+s3+$0x0], $0xffff;
	[tilespmem:s24+$0x0] =	vst v12  }
0xc4: {  	v63 =	vld.idx.msk [tilespmem:v4+s3+$0x0], $0xffff;
	[tilespmem:s23+$0x20] =	vst v57  }
0xc5: {  	[tilespmem:s23+$0x30] =	vst v62;
	v60 =	vld.idx.msk [tilespmem:v7+s3+$0x0], $0xffff  }
0xc6: {  	s21 =	sadd.s32 $0x1, s21;
	[tilespmem:s23+$0xFFFFFFC0] =	vst v58;
	v61 =	vld.idx.msk [tilespmem:v11+s3+$0x0], $0xffff  }
0xc7: {  	p0 =	sne.s32 s21, $0x40;
	[tilespmem:s23+$0x0] =	vst v0  }
.Ltmp5:
0xc8: {  	[tilespmem:s23+$0x10] =	vst v59;
	(pc) =	sbr.rel @p0 .LBB2_2-.Ltmp5, $4  }
0xc9: {  	[tilespmem:s23+$0xFFFFFFD0] =	vst v63  }
0xca: {  	[tilespmem:s23+$0xFFFFFFE0] =	vst v60  }
0xcb: {  	s22 =	sadd.s32 s6, s22;
	[tilespmem:s23+$0xFFFFFFF0] =	vst v61  }
0xcc: {  	[hbm4b:s22+s3] =	stream.linear.scatter [tilespmem:s18], [sflag:$0x4], $0x4000, $0x38;
	[tilespmem:$0x11080] =	vst v63  }
0xcd: {  	s20 =	sadd.s32 $0x1, s20  }
0xce: {  	_ =	swait.ge [sflag:s19], $0x4000;
	p0 =	sne.s32 s20, s10  }
.Ltmp6:
0xcf: {  	[sflag:s19] =	ssyncset.done $0x0;
	(pc) =	sbr.rel @p0 .LBB2_1-.Ltmp6, $4  }
0xd0: {  	[sflag:s19] =	ssyncadd.s32 $0xFFFFC000  }
0xd1: {  	_ =	swait.ge [sflag:s17], $0x4000  }
0xd2: {  	[sflag:s17] =	ssyncset.done $0x0  }
0xd3: {  	[sflag:s17] =	ssyncadd.s32 $0xFFFFC000  }
0xd4: {  	_ =	sfence.sel $0x180000  }
0xd5: {  	[bflag:$0x0] =	sbarrier.arrive $0xFFFF  }
0xd6: {  	p0 =	sne.s32 s2, $0x0;
	_ =	strace $0x9000004A  }
0xd7: {  	s0 =	sadd.s32 @!p0 $0x100000, s0;
	[bflag:$0x2] =	sbarrier.arrive $0xFFFF  }
0xd8: {  	[sflag:s0] =	ssyncadd.tile.s32 @!p0 $0x1;
	_ =	shalt  }
.Lfunc_end2:
_tile_overlayer_lowered:
.L_overlay_start_2:
0xd9: {  	(tag) =	ssettag $0x2  }
0xda: {  	s0 =	rddreg [dreg:$0x0];
	s2 =	stileid.u32  }
0xdb: {  	s1 =	rddreg [dreg:$0x1];
	p0 =	sne.s32 s2, $0x0  }
0xdc: {  	s3 =	rddreg [dreg:$0x2];
	[bflag:$0x3] =	sbarrier.arrive $0xFFFF;
	s2 =	simm.s32 @!p0 $0x1C05  }
0xdd: {  	[timem:s3], [sflag:s2] =	dma.local @!p0 [hbm:s0], s1  }
0xde: {  	s0 =	simm.s32 @!p0 $0x5  }
0xdf: {  	_ =	swait.ge @!p0 [sflag:s0], s1  }
0xe0: {  	s1 =	ssub.s32 @!p0 $0x0, s1;
	[sflag:s0] =	ssyncset.done @!p0 $0x0  }
0xe1: {  	[sflag:s0] =	ssyncadd.s32 @!p0 s1  }
0xe2: {  	[bflag:$0x3] =	sbarrier.arrive $0xFFFF  }
0xe3: {  	_ =	shalt  }

// kernel: sparse-core-data-format-call.cloned.1.call-start
scs
called_computation_lowered:
.L_overlay_start_0:
0x0: {  	s2 =	sld [smem:$0x3FD9]  }
0x1: {  	s3 =	sld [smem:$0x3FFE];
	_ =	sdelay $0x1  }
0x2: {  	s1 =	srdreg.scid  }
0x3: {  	s0 =	sand.u32 $0x1, s1  }
0x4: {  	s19 =	sshll.u32 s0, $0xA;
	s2 =	sadd.s32 s3, s2  }
0x5: {  	s2 =	sadd.s32 s2, s19  }
0x6: {  	[smem:$0x3FC7] =	sst s2  }
0x7: {  	_ = 	snop  }
0x8: {  	s2 =	sld [smem:$0x3FC9]  }
0x9: {  	s20 =	sld [smem:$0x3FD0];
	(tm) =	ssettm $0x1  }
0xa: {  	s4 =	sld [smem:$0x3FFB];
	_ =	sdelay $0x3  }
0xb: {  	_ =	strace s4  }
0xc: {  	s4 =	sld [smem:$0x3FFC];
	_ =	sdelay $0x3  }
0xd: {  	_ =	strace s4  }
0xe: {  	s4 =	sld [smem:$0x3FFD];
	_ =	sdelay $0x3  }
0xf: {  	_ =	strace s4  }
0x10: {  	_ =	strace $0x8FFFFFFF  }
0x11: {  	s21 =	sld [smem:$0x3FDB];
	_ =	sdelay $0x1  }
0x12: {  	s5 =	simm.s32 $_scs_section_size  }
0x13: {  	s6 =	simm.s32 $_size__tile_overlayer_lowered;
	s7 =	simm.s32 $_tile_overlayer_lowered  }
0x14: {  	s24 =	simm.s32 $0x1BFF;
	s23 =	sshll.u32 s7, $0x1;
	s4 =	sadd.s32 s5, s21  }
0x15: {  	s8 =	simm.s32 $0x0;
	s22 =	sshll.u32 s6, $0x1;
	s6 =	sadd.s32 s23, s4  }
0x16: {  	[timem:s8], [sflag:s24] =	dma.local [hbm:s6], s22  }
0x17: {  	_ =	swait.ge [sflag:s24], s22  }
0x18: {  	s5 =	ssub.s32 $0x0, s22;
	[sflag:s24] =	ssyncset.done $0x0  }
0x19: {  	[sflag:s24] =	ssyncadd.s32 s5;
	_ =	sdelay $0x1  }
0x1a: {  	s25 =	simm.s32 $0x1B8B  }
0x1b: {  	_ =	swait.ge [sflag:s25], $0x1  }
0x1c: {  	[sflag:s25] =	ssyncset.done $0x0  }
0x1d: {  	s26 =	simm.s32 $0x1B8E;
	[sflag:s25] =	ssyncadd.s32 $0xFFFFFFFF  }
0x1e: {  	s27 =	simm.s32 $execute0_lowered;
	[smem:$0x3FD2] =	sst s26  }
0x1f: {  	s5 =	sshll.u32 s27, $0x1;
	_ =	strace $0x80000046;
	[dreg:$0x1] =	wrdreg $0xFFFFFFFF  }
0x20: {  	s28 =	simm.s32 $_size_execute0_lowered;
	s4 =	sadd.s32 s4, s5;
	[dreg:$0x0] =	wrdreg $0x0  }
0x21: {  	s5 =	sshll.u32 s28, $0x1;
	[dreg:$0x2] =	wrdreg s4  }
0x22: {  	[dreg:$0x3] =	wrdreg s5  }
0x23: {  	[dreg:$0x4] =	wrdreg $0xC0  }
0x24: {  	_ =	task [dreg:s8], $0x5FFFF  }
0x25: {  	[dreg:$0x1] =	wrdreg $0xFFFFFFFF  }
0x26: {  	[dreg:$0x0] =	wrdreg $0x60  }
0x27: {  	[dreg:$0x2] =	wrdreg s2  }
0x28: {  	[dreg:$0x3] =	wrdreg s20  }
0x29: {  	[dreg:$0x4] =	wrdreg $0x9  }
0x2a: {  	_ =	task.clear_ibuf [dreg:s8], $0x5FFFF;
	_ =	strace $0x90000046  }
0x2b: {  	s29 =	simm.s32 $0x9;
	_ =	strace $0x80000048  }
0x2c: {  	_ =	swait.ge [sflag:s29], $0x1  }
0x2d: {  	[sflag:s29] =	ssyncadd.s32 $0xFFFFFFFF  }
0x2e: {  	_ =	strace $0x90000048  }
0x2f: {  	_ =	sfence  }
0x30: {  	s30 =	sld [smem:$0x0];
	_ =	sdelay $0x2  }
0x31: {  	s31 =	sshll.u32 s1, $0xD;
	s1 =	sshrl.u32 s1, $0x2  }
0x32: {  	s3 =	sand.u32 $0x4000, s31;
	s1 =	sadd.s32 s1, s30  }
0x33: {  	s0 =	sor.u32 s3, s0;
	s1 =	sshll.u32 s1, $0x11  }
0x34: {  	s0 =	sor.u32 s1, s0  }
0x35: {  	s0 =	sadd.s32 $0x8F2B, s0  }
0x36: {  	[sflag:s0] =	ssyncadd.remote.s32 $0x1  }
0x37: {  	_ =	sfence.sel $0xFFFF  }
0x38: {  	[dreg:$0x0] =	wrdreg $0xFFFFFFFF;
	(pc) =	sbr.abs _section_cstart, $3  }
0x39: {  	[dreg:$0x1] =	wrdreg $0xFFFFFFFF  }
0x3a: {  	_ =	task.clear_ibuf [dreg:s8], $0x2FFFF;
	_ =	strace $0x9FFFFFFF  }
0x3b: {  	(tm) =	ssettm $0x7FFFFFFF  }
tec
execute0_lowered:
.L_overlay_start_1:
0x0: {  	(tag) =	ssettag $0x1  }
0x1: {  	s2 =	rddreg [dreg:$0x0]  }
0x2: {  	s3 =	rddreg [dreg:$0x1]  }
0x3: {  	s0 =	rddreg [dreg:$0x2];
	_ =	strace $0x80000047  }
0x4: {  	s4 =	srdreg.scid;
	s1 =	stileid.u32;
	s6 =	simm.s32 $0x2  }
.Ltmp0:
0x5: {  	s11 =	simm.s32 $0x0;
	p0 =	por $0x0, $0x0;
	(pc) =	sbr.rel .LBB1_1-.Ltmp0, $4  }
0x6: {  	s7 =	simm.s32 $0x1000;
	s12 =	simm.s32 $0x0;
	s5 =	sshll.u32 s4, $0x4  }
0x7: {  	s9 =	simm.s32 $0x0;
	s4 =	simm.s32 $0x1;
	s5 =	sand.u32 $0x10, s5  }
0x8: {  	s8 =	simm.s32 $0x0;
	[sflag:s4] =	ssyncpa.u1 $0x0;
	s5 =	sor.u32 s1, s5  }
0x9: {  	[sflag:s6] =	ssyncpa.u1 $0x0;
	s6 =	simm.s32 $0x800;
	s10 =	smov.u32 s5  }
.LBB1_7:
0xa: {  	s13 =	sadd.s32 $0x10, s9  }
0xb: {  	s11 =	sadd.s32 $0x20, s10;
	s15 =	smov.u32 s10;
	p2 =	sgt.s32 s13, $0x1F  }
0xc: {  	p1 =	slt.u32 s8, $0x2;
	s15 =	smov.u32 @p2 s11  }
0xd: {  	s8 =	sadd.s32 $0x1, s8;
	s13 =	simm.s32 @p2 $0x0;
	p2 =	sgt.s32 s15, $0x7FF  }
0xe: {  	s15 =	smov.u32 @p2 s5;
	p2 =	sne.s32 s8, $0x82  }
.Ltmp1:
0xf: {  	_ = 	snop;
	(pc) =	sbr.rel @!p2 .LBB1_8-.Ltmp1, $4  }
0x10: {  	s14 =	simm.s32 @!p1 $0x2  }
0x11: {  	s12 =	smov.u32 s10;
	_ =	swait.ge @!p1 [sflag:s14], $0x4000  }
0x12: {  	p0 =	por !p0, !p0;
	s11 =	smov.u32 s9;
	[sflag:s14] =	ssyncset.done @!p1 $0x0  }
0x13: {  	s9 =	smov.u32 s13;
	[sflag:s14] =	ssyncadd.s32 @!p1 $0xFFFFC000;
	s10 =	smov.u32 s15  }
.LBB1_1:
0x14: {  	p1 =	sgt.u32 s8, $0x7F  }
0x15: {  	s13 =	sxor.u32 @!p1 $0xFFFFFFFF, s8;
	s14 =	sshll.u32 @!p1 s10, $0xC  }
0x16: {  	s15 =	sshll.u32 @!p1 s9, $0x7;
	s13 =	sshll.u32 @!p1 s13, $0xE;
	s14 =	sadd.s32 @!p1 s2, s14  }
0x17: {  	s13 =	sand.u32 @!p1 $0x4000, s13;
	s14 =	sadd.s32 @!p1 s15, s14;
	s15 =	simm.s32 @!p1 $0x0  }
0x18: {  	[tilespmem:s13], [sflag:$0x1] =	stream.linear.gather @!p1 [hbm4b:s14+s15], $0x4000, $0x38;
	[tilespmem:$0x10000] =	vst v63  }
0x19: {  	p1 =	seq.s32 s8, $0x0  }
0x1a: {  	p2 =	seq.s32 @!p1 s8, $0x81  }
0x1b: {  	p1 =	por p1, p2  }
.Ltmp2:
0x1c: {  	_ = 	snop;
	(pc) =	sbr.rel @p1 .LBB1_7-.Ltmp2, $1  }
0x1d: {  	_ =	sdelay $0x3  }
0x1e: {  	s13 =	simm.s32 $0x1;
	_ =	swait.ge [sflag:s4], $0x4000;
	s16 =	sshll.u32 s8, $0xE  }
0x1f: {  	s13 =	simm.s32 @!p0 $0x0;
	[sflag:s4] =	ssyncset.done $0x0;
	s31 =	sand.u32 $0x4000, s16  }
0x20: {  	s16 =	simm.s32 $0x0;
	s14 =	sshll.u32 s13, $0xE;
	[sflag:s4] =	ssyncadd.s32 $0xFFFFC000  }
0x21: {  	s13 =	sor.u32 $0x8040, s14;
	s15 =	sor.u32 $0x40, s14;
	s14 =	sor.u32 $0x8000, s31  }
.LBB1_3:
0x22: {  	v0 =	vmov s15;
	_ =	sdelay $0x3  }
0x23: {  	s18 =	simm.s32 $0x0  }
0x24: {  	v6 =	vld.idx.msk [tilespmem:v0+s18+$0x30 ss:$0x1], $0xffff  }
0x25: {  	v7 =	vld.idx.msk [tilespmem:v0+s18+$0xFFFFFFC0 ss:$0x1], $0xffff  }
0x26: {  	v5 =	vld.idx.msk [tilespmem:v0+s18+$0xFFFFFFD0 ss:$0x1], $0xffff  }
0x27: {  	v4 =	vld.idx.msk [tilespmem:v0+s18+$0xFFFFFFE0 ss:$0x1], $0xffff  }
0x28: {  	v3 =	vld.idx.msk [tilespmem:v0+s18+$0xFFFFFFF0 ss:$0x1], $0xffff  }
0x29: {  	v1 =	vld.idx.msk [tilespmem:v0+s18+$0x0 ss:$0x1], $0xffff  }
0x2a: {  	v2 =	vld.idx.msk [tilespmem:v0+s18+$0x10 ss:$0x1], $0xffff;
	[tilespmem:s13+$0x30] =	vst v6  }
0x2b: {  	s17 =	simm.s32 $0x80;
	s19 =	simm.s32 $0x400;
	[tilespmem:s13+$0xFFFFFFC0] =	vst v7;
	v6 =	vld.idx.msk [tilespmem:v0+s18+$0x20 ss:$0x1], $0xffff;
	s18 =	smov.u32 s13  }
.LBB1_4:
0x2c: {  	p1 =	sne.s32 s19, $0xE00;
	v7 =	vld.idx.msk [tilespmem:v0+s17+$0x30 ss:$0x1], $0xffff;
	[tilespmem:s18+$0xFFFFFFD0] =	vst v5  }
0x2d: {  	v8 =	vld.idx.msk [tilespmem:v0+s17+$0xFFFFFFC0 ss:$0x1], $0xffff;
	[tilespmem:s18+$0xFFFFFFE0] =	vst v4  }
0x2e: {  	v5 =	vld.idx.msk [tilespmem:v0+s17+$0xFFFFFFD0 ss:$0x1], $0xffff;
	[tilespmem:s18+$0xFFFFFFF0] =	vst v3  }
.Ltmp3:
0x2f: {  	v4 =	vld.idx.msk [tilespmem:v0+s17+$0xFFFFFFE0 ss:$0x1], $0xffff;
	[tilespmem:s18+$0x0] =	vst v1;
	(pc) =	sbr.rel @p1 .LBB1_4-.Ltmp3, $4  }
0x30: {  	v3 =	vld.idx.msk [tilespmem:v0+s17+$0xFFFFFFF0 ss:$0x1], $0xffff;
	[tilespmem:s18+$0x10] =	vst v2  }
0x31: {  	v1 =	vld.idx.msk [tilespmem:v0+s17+$0x0 ss:$0x1], $0xffff;
	[tilespmem:s18+$0x20] =	vst v6;
	s18 =	sadd.s32 $0x800, s18  }
0x32: {  	v2 =	vld.idx.msk [tilespmem:v0+s17+$0x10 ss:$0x1], $0xffff;
	[tilespmem:s18+$0x30] =	vst v7  }
0x33: {  	[tilespmem:s18+$0xFFFFFFC0] =	vst v8;
	v6 =	vld.idx.msk [tilespmem:v0+s17+$0x20 ss:$0x1], $0xffff;
	s17 =	sshra.s32 s19, $0x2;
	s19 =	sadd.s32 $0x200, s19  }
0x34: {  	_ =	sdelay $0x2  }
0x35: {  	[tilespmem:s18+$0xFFFFFFD0] =	vst v5  }
0x36: {  	v56 =	vld.idx.msk [tilespmem:v0+s17+$0x30 ss:$0x1], $0xffff;
	[tilespmem:s18+$0xFFFFFFE0] =	vst v4  }
0x37: {  	v57 =	vld.idx.msk [tilespmem:v0+s17+$0xFFFFFFC0 ss:$0x1], $0xffff;
	[tilespmem:s18+$0xFFFFFFF0] =	vst v3  }
0x38: {  	v58 =	vld.idx.msk [tilespmem:v0+s17+$0xFFFFFFD0 ss:$0x1], $0xffff;
	[tilespmem:s18+$0x0] =	vst v1  }
0x39: {  	v59 =	vld.idx.msk [tilespmem:v0+s17+$0xFFFFFFE0 ss:$0x1], $0xffff;
	[tilespmem:s18+$0x10] =	vst v2  }
0x3a: {  	v60 =	vld.idx.msk [tilespmem:v0+s17+$0xFFFFFFF0 ss:$0x1], $0xffff;
	s31 =	sadd.s32 $0x800, s18;
	[tilespmem:s18+$0x20] =	vst v6  }
0x3b: {  	v61 =	vld.idx.msk [tilespmem:v0+s17+$0x0 ss:$0x1], $0xffff;
	[tilespmem:s31+$0x30] =	vst v56  }
0x3c: {  	v62 =	vld.idx.msk [tilespmem:v0+s17+$0x10 ss:$0x1], $0xffff;
	s16 =	sadd.s32 $0x1, s16;
	[tilespmem:s31+$0xFFFFFFC0] =	vst v57  }
0x3d: {  	v63 =	vld.idx.msk [tilespmem:v0+s17+$0x20 ss:$0x1], $0xffff;
	p1 =	sne.s32 s16, $0x10;
	[tilespmem:s31+$0xFFFFFFD0] =	vst v58  }
.Ltmp4:
0x3e: {  	[tilespmem:s31+$0xFFFFFFE0] =	vst v59;
	(pc) =	sbr.rel @p1 .LBB1_3-.Ltmp4, $4  }
0x3f: {  	[tilespmem:s31+$0xFFFFFFF0] =	vst v60  }
0x40: {  	[tilespmem:s31+$0x0] =	vst v61  }
0x41: {  	[tilespmem:s31+$0x10] =	vst v62  }
0x42: {  	s13 =	sadd.s32 $0x80, s13;
	s15 =	sadd.s32 $0x400, s15;
	[tilespmem:s31+$0x20] =	vst v63  }
.Ltmp5:
0x43: {  	(pc) =	sbr.rel .LBB1_7-.Ltmp5, $4  }
0x44: {  	s12 =	sshll.u32 s12, $0xC;
	s11 =	sshll.u32 s11, $0x4  }
0x45: {  	s11 =	sand.u32 $0x1F0, s11;
	s12 =	sadd.s32 s3, s12  }
0x46: {  	s11 =	sadd.s32 s11, s12  }
0x47: {  	[hbm4b:s11+s6] =	stream.strided.scatter [tilespmem:s14], [sflag:$0x2], $0x4000, s7, s6, $0x38;
	[tilespmem:$0x10000] =	vst v63  }
.LBB1_8:
0x48: {  	_ =	sfence.sel $0x180000  }
0x49: {  	s2 =	simm.s32 $0x1;
	[bflag:$0x0] =	sbarrier.arrive $0xFFFF  }
0x4a: {  	s31 =	simm.s32 $0x2;
	[sflag:s2] =	ssyncpa.u1 $0x1  }
0x4b: {  	[sflag:s31] =	ssyncpa.u1 $0x1  }
0x4c: {  	p0 =	sne.s32 s1, $0x0;
	_ =	strace $0x90000047  }
0x4d: {  	s0 =	sadd.s32 @!p0 $0x100000, s0;
	[bflag:$0x2] =	sbarrier.arrive $0xFFFF  }
0x4e: {  	[sflag:s0] =	ssyncadd.tile.s32 @!p0 $0x1;
	_ =	shalt  }
.Lfunc_end1:
_tile_overlayer_lowered:
.L_overlay_start_2:
0x4f: {  	(tag) =	ssettag $0x2  }
0x50: {  	s0 =	rddreg [dreg:$0x0];
	s2 =	stileid.u32  }
0x51: {  	s1 =	rddreg [dreg:$0x1];
	p0 =	sne.s32 s2, $0x0  }
0x52: {  	s3 =	rddreg [dreg:$0x2];
	[bflag:$0x3] =	sbarrier.arrive $0xFFFF;
	s2 =	simm.s32 @!p0 $0x1C01  }
0x53: {  	[timem:s3], [sflag:s2] =	dma.local @!p0 [hbm:s0], s1  }
0x54: {  	s0 =	simm.s32 @!p0 $0x1  }
0x55: {  	_ =	swait.ge @!p0 [sflag:s0], s1  }
0x56: {  	s1 =	ssub.s32 @!p0 $0x0, s1;
	[sflag:s0] =	ssyncset.done @!p0 $0x0  }
0x57: {  	[sflag:s0] =	ssyncadd.s32 @!p0 s1  }
0x58: {  	[bflag:$0x3] =	sbarrier.arrive $0xFFFF  }
0x59: {  	_ =	shalt  }

</sc_bundles>
